<compile_context>
chip_gen: v7x
topology: tpu7x:2x2x1
jax: 0.10.2.dev20260603
libtpu: 0.0.44.dev20260713+nightly
codegen_flags: <defaults>
</compile_context>

<pallas_src>
import functools

import jax
import jax.numpy as jnp
from jax import lax
from jax.experimental import pallas as pl
from jax.experimental.pallas import tpu as pltpu
from jax.experimental.pallas import tpu_sc as plsc

N_NODES = 10000
N_EDGES = 320000
D = 128

NC = 2
NS = 16
L = 16
NW = NC * NS
NP = 10240
CB = NP // D
EP = 327680
EPW = EP // NW
K = 64
NCHUNK = EPW // K
IPL = 1024
CZ = NP // NS
ZCH = 64

_PREC = lax.Precision.HIGHEST



def _nodeproj_body(x_ref, wa_ref, wb_ref, xa_ref, xb_ref):
    xv = x_ref[...]
    xa_ref[...] = jnp.dot(xv, wa_ref[...], preferred_element_type=jnp.float32,
                          precision=_PREC)
    xb_ref[...] = jnp.dot(xv, wb_ref[...], preferred_element_type=jnp.float32,
                          precision=_PREC)


def _node_proj(x_pad, w1a, w1b):
    tn = 2048
    return pl.pallas_call(
        _nodeproj_body,
        grid=(NP // tn,),
        in_specs=[
            pl.BlockSpec((tn, D), lambda i: (i, 0)),
            pl.BlockSpec((D, D), lambda i: (0, 0)),
            pl.BlockSpec((D, D), lambda i: (0, 0)),
        ],
        out_specs=[
            pl.BlockSpec((tn, D), lambda i: (i, 0)),
            pl.BlockSpec((tn, D), lambda i: (i, 0)),
        ],
        out_shape=[
            jax.ShapeDtypeStruct((NP, D), jnp.float32),
            jax.ShapeDtypeStruct((NP, D), jnp.float32),
        ],
    )(x_pad, w1a, w1b)


def _edgeproj_body(e_ref, w_ref, b_ref, g_ref):
    g_ref[...] = jnp.dot(e_ref[...], w_ref[...], preferred_element_type=jnp.float32,
                         precision=_PREC) + b_ref[...]


def _edge_proj(edge_attr, w1c, b1):
    te = 2560
    n_in = N_EDGES // te
    return pl.pallas_call(
        _edgeproj_body,
        grid=(EP // te,),
        in_specs=[
            pl.BlockSpec((te, D), lambda i: (jnp.minimum(i, n_in - 1), 0)),
            pl.BlockSpec((D, D), lambda i: (0, 0)),
            pl.BlockSpec((1, D), lambda i: (0, 0)),
        ],
        out_specs=pl.BlockSpec((te, D), lambda i: (i, 0)),
        out_shape=jax.ShapeDtypeStruct((EP, D), jnp.float32),
    )(edge_attr, w1c, b1.reshape(1, D))



def _sc_body(row_hbm, col_hbm, xa_hbm, xb_hbm, g_hbm,
             out_hbm, cnt_hbm,
             rowa, cola, cidx,
             buf_a0, buf_b0, buf_g0, obuf0,
             cntv, acc, sem_g0, sem_g1, sem_s0):
    c = lax.axis_index("c")
    s = lax.axis_index("s")
    base = (c * NS + s) * EPW
    obuf = obuf0

    zv = jnp.zeros((L,), jnp.float32)

    def _zrow(i, _):
        for j in range(D // L):
            obuf[i, pl.ds(j * L, L)] = zv
        return 0
    lax.fori_loop(0, K, _zrow, 0)

    def _zacc(t, _):
        pltpu.sync_copy(obuf.at[pl.ds(0, ZCH)],
                        acc.at[pl.ds(s * CZ + t * ZCH, ZCH)])
        return 0
    lax.fori_loop(0, CZ // ZCH, _zacc, 0)

    def _zcnt(t, _):
        for j in range(D // L):
            cntv[t, pl.ds(j * L, L)] = zv
        return 0
    lax.fori_loop(0, CB, _zcnt, 0)

    plsc.subcore_barrier()

    ones = jnp.ones((L,), jnp.float32)

    def _chunk(ck, _):
        eo = base + ck * K
        pltpu.sync_copy(row_hbm.at[pl.ds(eo, K)], rowa)
        pltpu.sync_copy(col_hbm.at[pl.ds(eo, K)], cola)
        ca = pltpu.async_copy(xa_hbm.at[rowa], buf_a0, sem_g0)
        cb = pltpu.async_copy(xb_hbm.at[cola], buf_b0, sem_g1)
        cg = pltpu.async_copy(g_hbm.at[pl.ds(eo, K)], buf_g0, sem_s0)

        def _group(g, _):
            cv = cola[pl.ds(g * L, L)]
            plsc.addupdate_scatter(
                cntv, [lax.shift_right_logical(cv, 7),
                       lax.bitwise_and(cv, jnp.int32(127))], ones)
            return 0
        lax.fori_loop(0, K // L, _group, 0)

        ca.wait()
        cb.wait()
        cg.wait()

        def _crow(i, _):
            for j in range(D // L):
                sl = pl.ds(j * L, L)
                t = buf_a0[i, sl] + buf_b0[i, sl] + buf_g0[i, sl]
                obuf0[i, sl] = jnp.maximum(t, 0.0)
            return 0
        lax.fori_loop(0, K, _crow, 0)

        pltpu.sync_copy(obuf0, acc.at[cola], add=True)
        return 0
    lax.fori_loop(0, NCHUNK, _chunk, 0)

    plsc.subcore_barrier()

    def _dump(t, _):
        r0 = s * CZ + t * ZCH
        pltpu.sync_copy(acc.at[pl.ds(r0, ZCH)], obuf.at[pl.ds(0, ZCH)])
        pltpu.sync_copy(obuf.at[pl.ds(0, ZCH)], out_hbm.at[c, pl.ds(r0, ZCH)])
        return 0
    lax.fori_loop(0, CZ // ZCH, _dump, 0)

    plsc.subcore_barrier()

    @pl.when(s == 0)
    def _zero_cnt_rows():
        def _z2(i, _):
            for j in range(D // L):
                obuf[i, pl.ds(j * L, L)] = zv
            return 0
        lax.fori_loop(0, K, _z2, 0)

        def _zc(t, _):
            pltpu.sync_copy(obuf.at[pl.ds(0, CB // 2)],
                            acc.at[pl.ds(t * (CB // 2), CB // 2)])
            return 0
        lax.fori_loop(0, 2, _zc, 0)

    plsc.subcore_barrier()

    def _credu(h, _):
        cidx[...] = jnp.arange(L, dtype=jnp.int32) + h * L
        pltpu.sync_copy(cntv.at[pl.ds(h * L, L)], acc.at[cidx], add=True)
        return 0
    lax.fori_loop(0, CB // L, _credu, 0)
    plsc.subcore_barrier()

    @pl.when(s == 0)
    def _dump_cnt():
        def _dc(t, _):
            r0 = t * (CB // 2)
            pltpu.sync_copy(acc.at[pl.ds(r0, CB // 2)],
                            obuf.at[pl.ds(0, CB // 2)])
            pltpu.sync_copy(obuf.at[pl.ds(0, CB // 2)],
                            cnt_hbm.at[c, pl.ds(r0, CB // 2)])
            return 0
        lax.fori_loop(0, 2, _dc, 0)


@functools.cache
def _sc_scatter_fn():
    return pl.kernel(
        _sc_body,
        out_type=[
            jax.ShapeDtypeStruct((NC, NP, D), jnp.float32),
            jax.ShapeDtypeStruct((NC, CB, D), jnp.float32),
        ],
        mesh=plsc.VectorSubcoreMesh(core_axis_name="c", subcore_axis_name="s",
                                    num_cores=NC, num_subcores=NS),
        compiler_params=pltpu.CompilerParams(needs_layout_passes=False),
        scratch_types=[
            pltpu.VMEM((K,), jnp.int32),
            pltpu.VMEM((K,), jnp.int32),
            pltpu.VMEM((L,), jnp.int32),
            pltpu.VMEM((K, D), jnp.float32),
            pltpu.VMEM((K, D), jnp.float32),
            pltpu.VMEM((K, D), jnp.float32),
            pltpu.VMEM((K, D), jnp.float32),
            pltpu.VMEM((CB, D), jnp.float32),
            pltpu.VMEM_SHARED((NP, D), jnp.float32),
            pltpu.SemaphoreType.DMA,
            pltpu.SemaphoreType.DMA,
            pltpu.SemaphoreType.DMA,
        ],
    )



def _update_body(x_ref, p_ref, c_ref, w2_ref, b2_ref, u1a_ref,
                 u1b_ref, bu1_ref, u2_ref, bu2_ref, out_ref):
    ssum = p_ref[0, :N_NODES] + p_ref[1, :N_NODES]
    cgrid = c_ref[0] + c_ref[1]
    vrow = lax.broadcasted_iota(jnp.int32, (N_NODES, CB), 0)
    hsel = (lax.shift_right_logical(vrow, 7)
            == lax.broadcasted_iota(jnp.int32, (N_NODES, CB), 1))
    rows = jnp.dot(hsel.astype(jnp.float32), cgrid,
                   preferred_element_type=jnp.float32, precision=_PREC)
    vlane = lax.broadcasted_iota(jnp.int32, (N_NODES, D), 0)
    lsel = (lax.bitwise_and(vlane, jnp.int32(127))
            == lax.broadcasted_iota(jnp.int32, (N_NODES, D), 1))
    cnt = jnp.sum(jnp.where(lsel, rows, 0.0), axis=1, keepdims=True)

    agg_sum = jnp.dot(ssum, w2_ref[...], preferred_element_type=jnp.float32,
                      precision=_PREC) + cnt * b2_ref[...]
    agg = agg_sum / jnp.maximum(cnt, 1.0)
    hu = jnp.dot(x_ref[...], u1a_ref[...], preferred_element_type=jnp.float32,
                 precision=_PREC)
    hu = hu + jnp.dot(agg, u1b_ref[...], preferred_element_type=jnp.float32,
                      precision=_PREC)
    hu = jnp.maximum(hu + bu1_ref[...], 0.0)
    out_ref[...] = jnp.dot(hu, u2_ref[...], preferred_element_type=jnp.float32,
                           precision=_PREC) + bu2_ref[...]


def _node_update(x, parts, cnts, w2, b2, u1a, u1b, bu1, u2, bu2):
    return pl.pallas_call(
        _update_body,
        out_shape=jax.ShapeDtypeStruct((N_NODES, D), jnp.float32),
    )(x, parts, cnts, w2, b2.reshape(1, D), u1a, u1b,
      bu1.reshape(1, D), u2, bu2.reshape(1, D))



def kernel(x, edge_index, edge_attr, W1, b1, W2, b2, U1, bu1, U2, bu2):
    row = edge_index[0].astype(jnp.int32)
    col = edge_index[1].astype(jnp.int32)
    npad = EP - N_EDGES
    row_p = jnp.concatenate([row, jnp.zeros((npad,), jnp.int32)])
    col_p = jnp.concatenate([col, jnp.full((npad,), NP - 1, jnp.int32)])
    x_pad = jnp.concatenate([x, jnp.zeros((NP - N_NODES, D), jnp.float32)])

    w1a, w1b, w1c = W1[:D], W1[D:2 * D], W1[2 * D:]
    u1a, u1b = U1[:D], U1[D:]

    xa, xb = _node_proj(x_pad, w1a, w1b)
    g = _edge_proj(edge_attr, w1c, b1)
    parts, cnts = _sc_scatter_fn()(row_p, col_p, xa, xb, g)
    return _node_update(x, parts, cnts, W2, b2, u1a, u1b, bu1, U2, bu2)

# --- scband reference (transcript-rebuilt; emitter-appended) ---
"""Pipeline reference for scband-graph-conv-layer-20572893348184 (READ-ONLY COPY).

The authoritative reference and input builder live on the scoring server;
editing this copy changes nothing except your own understanding.
"""

import jax, jax.numpy as jnp
import numpy as np

N_NODES = 10000
N_EDGES = 320000
D = 128

def setup_inputs(seed: int = 0) -> dict:
    key = jax.random.key(seed)
    ks = jax.random.split(key, 12)
    x = jax.random.normal(ks[0], (N_NODES, D), dtype=jnp.float32)
    edge_index = jax.random.randint(ks[1], (2, N_EDGES), 0, N_NODES, dtype=jnp.int64 if jax.config.jax_enable_x64 else jnp.int32)
    edge_attr = jax.random.normal(ks[2], (N_EDGES, D), dtype=jnp.float32)
    s1 = 1.0 / np.sqrt(3 * D)
    s2 = 1.0 / np.sqrt(D)
    s3 = 1.0 / np.sqrt(2 * D)
    W1 = jax.random.uniform(ks[3], (3 * D, D), minval=-s1, maxval=s1, dtype=jnp.float32)
    b1 = jax.random.uniform(ks[4], (D,), minval=-s1, maxval=s1, dtype=jnp.float32)
    W2 = jax.random.uniform(ks[5], (D, D), minval=-s2, maxval=s2, dtype=jnp.float32)
    b2 = jax.random.uniform(ks[6], (D,), minval=-s2, maxval=s2, dtype=jnp.float32)
    U1 = jax.random.uniform(ks[7], (2 * D, D), minval=-s3, maxval=s3, dtype=jnp.float32)
    bu1 = jax.random.uniform(ks[8], (D,), minval=-s3, maxval=s3, dtype=jnp.float32)
    U2 = jax.random.uniform(ks[9], (D, D), minval=-s2, maxval=s2, dtype=jnp.float32)
    bu2 = jax.random.uniform(ks[10], (D,), minval=-s2, maxval=s2, dtype=jnp.float32)
    return {"x": x, "edge_index": edge_index, "edge_attr": edge_attr, "W1": W1, "b1": b1, "W2": W2, "b2": b2, "U1": U1, "bu1": bu1, "U2": U2, "bu2": bu2}

def reference(x, edge_index, edge_attr, W1, b1, W2, b2, U1, bu1, U2, bu2):
    row = edge_index[0]
    col = edge_index[1]
    m_in = jnp.concatenate([x[row], x[col], edge_attr], axis=-1)
    h = jnp.maximum(m_in @ W1 + b1, 0.0)
    messages = h @ W2 + b2
    num_nodes = x.shape[0]
    agg_sum = jax.ops.segment_sum(messages, col, num_segments=num_nodes)
    cnt = jax.ops.segment_sum(jnp.ones((col.shape[0],), dtype=x.dtype), col, num_segments=num_nodes)
    aggregated = agg_sum / jnp.maximum(cnt, 1.0)[:, None]
    u_in = jnp.concatenate([x, aggregated], axis=-1)
    hu = jnp.maximum(u_in @ U1 + bu1, 0.0)
    updated = hu @ U2 + bu2
    return updated

if __name__ == "__main__":
    import jax
    _d = setup_inputs()
    print(jax.jit(kernel)(*tuple(_d.values())))

</pallas_src>

<mosaic_0001>
#map = affine_map<(d0, d1) -> (0)>
#map1 = affine_map<(d0, d1) -> (0, 0)>
#map2 = affine_map<(d0, d1) -> (0, 0, 0)>
module attributes {stable_mosaic.version = 14 : i64} {
  func.func @_sc_body(%arg0: i32, %arg1: i32, %arg2: memref<327680xi32, #tpu.memory_space<hbm>>, %arg3: memref<327680xi32, #tpu.memory_space<hbm>>, %arg4: memref<10240x128xf32, #tpu.memory_space<hbm>>, %arg5: memref<10240x128xf32, #tpu.memory_space<hbm>>, %arg6: memref<327680x128xf32, #tpu.memory_space<hbm>>, %arg7: memref<2x10240x128xf32, #tpu.memory_space<hbm>>, %arg8: memref<2x80x128xf32, #tpu.memory_space<hbm>>, %arg9: memref<64xi32, #tpu.memory_space<vmem>>, %arg10: memref<64xi32, #tpu.memory_space<vmem>>, %arg11: memref<16xi32, #tpu.memory_space<vmem>>, %arg12: memref<64x128xf32, #tpu.memory_space<vmem>>, %arg13: memref<64x128xf32, #tpu.memory_space<vmem>>, %arg14: memref<64x128xf32, #tpu.memory_space<vmem>>, %arg15: memref<64x128xf32, #tpu.memory_space<vmem>>, %arg16: memref<80x128xf32, #tpu.memory_space<vmem>>, %arg17: memref<10240x128xf32, #tpu.memory_space<vmem_shared>>, %arg18: memref<!tpu.dma_semaphore, #tpu.memory_space<semaphore_mem>>, %arg19: memref<!tpu.dma_semaphore, #tpu.memory_space<semaphore_mem>>, %arg20: memref<!tpu.dma_semaphore, #tpu.memory_space<semaphore_mem>>) attributes {dimension_semantics = [#tpu.dimension_semantics<core_parallel>, #tpu.dimension_semantics<subcore_parallel>], iteration_bounds = array<i64: 2, 16>, scalar_prefetch = 0 : i64, scratch_operands = 12 : i64, tpu.core_type = #tpu.core_type<sc_vector_subcore>, window_params = [{transform_indices = #map}, {transform_indices = #map}, {transform_indices = #map1}, {transform_indices = #map1}, {transform_indices = #map1}, {transform_indices = #map2}, {transform_indices = #map2}]} {
    %mul3A = arith.constant 16 : i32
    %mul3A_0 = arith.muli %arg0, %mul3A : i32
    %add3A = arith.addi %mul3A_0, %arg1 : i32
    %mul3A_1 = arith.constant 10240 : i32
    %mul3A_2 = arith.muli %add3A, %mul3A_1 : i32
    %broadcast_in_dim3A = arith.constant 0.000000e+00 : f32
    %broadcast_in_dim3A_3 = vector.broadcast %broadcast_in_dim3A : f32 to vector<16xf32>
    %scan3A = arith.constant 0 : i32
    %scan3A_4 = arith.constant 0 : i32
    %scan3A_5 = arith.constant 64 : i32
    %scan3A_6 = arith.addi %scan3A_4, %scan3A_5 : i32
    %scan3A_7 = arith.constant 1 : i32
    %scan3A_8 = scf.for %scan3A_58 = %scan3A_4 to %scan3A_6 step %scan3A_7 iter_args(%scan3A_59 = %scan3A) -> (i32)  : i32 {
      %swap3A = arith.index_cast %scan3A_58 : i32 to index
      %swap3A_60 = arith.constant 0 : index
      %swap3A_61 = tpu.vector_load %arg15[%swap3A, %swap3A_60] {strides = array<i32>} : memref<64x128xf32, #tpu.memory_space<vmem>>, vector<16xf32>,
      tpu.vector_store %arg15[%swap3A, %swap3A_60], %broadcast_in_dim3A_3 {strides = array<i32>} : memref<64x128xf32, #tpu.memory_space<vmem>>, vector<16xf32>,
      %swap3A_62 = arith.index_cast %scan3A_58 : i32 to index
      %swap3A_63 = arith.constant 16 : index
      %swap3A_64 = tpu.vector_load %arg15[%swap3A_62, %swap3A_63] {strides = array<i32>} : memref<64x128xf32, #tpu.memory_space<vmem>>, vector<16xf32>,
      tpu.vector_store %arg15[%swap3A_62, %swap3A_63], %broadcast_in_dim3A_3 {strides = array<i32>} : memref<64x128xf32, #tpu.memory_space<vmem>>, vector<16xf32>,
      %swap3A_65 = arith.index_cast %scan3A_58 : i32 to index
      %swap3A_66 = arith.constant 32 : index
      %swap3A_67 = tpu.vector_load %arg15[%swap3A_65, %swap3A_66] {strides = array<i32>} : memref<64x128xf32, #tpu.memory_space<vmem>>, vector<16xf32>,
      tpu.vector_store %arg15[%swap3A_65, %swap3A_66], %broadcast_in_dim3A_3 {strides = array<i32>} : memref<64x128xf32, #tpu.memory_space<vmem>>, vector<16xf32>,
      %swap3A_68 = arith.index_cast %scan3A_58 : i32 to index
      %swap3A_69 = arith.constant 48 : index
      %swap3A_70 = tpu.vector_load %arg15[%swap3A_68, %swap3A_69] {strides = array<i32>} : memref<64x128xf32, #tpu.memory_space<vmem>>, vector<16xf32>,
      tpu.vector_store %arg15[%swap3A_68, %swap3A_69], %broadcast_in_dim3A_3 {strides = array<i32>} : memref<64x128xf32, #tpu.memory_space<vmem>>, vector<16xf32>,
      %swap3A_71 = arith.index_cast %scan3A_58 : i32 to index
      %swap3A_72 = arith.constant 64 : index
      %swap3A_73 = tpu.vector_load %arg15[%swap3A_71, %swap3A_72] {strides = array<i32>} : memref<64x128xf32, #tpu.memory_space<vmem>>, vector<16xf32>,
      tpu.vector_store %arg15[%swap3A_71, %swap3A_72], %broadcast_in_dim3A_3 {strides = array<i32>} : memref<64x128xf32, #tpu.memory_space<vmem>>, vector<16xf32>,
      %swap3A_74 = arith.index_cast %scan3A_58 : i32 to index
      %swap3A_75 = arith.constant 80 : index
      %swap3A_76 = tpu.vector_load %arg15[%swap3A_74, %swap3A_75] {strides = array<i32>} : memref<64x128xf32, #tpu.memory_space<vmem>>, vector<16xf32>,
      tpu.vector_store %arg15[%swap3A_74, %swap3A_75], %broadcast_in_dim3A_3 {strides = array<i32>} : memref<64x128xf32, #tpu.memory_space<vmem>>, vector<16xf32>,
      %swap3A_77 = arith.index_cast %scan3A_58 : i32 to index
      %swap3A_78 = arith.constant 96 : index
      %swap3A_79 = tpu.vector_load %arg15[%swap3A_77, %swap3A_78] {strides = array<i32>} : memref<64x128xf32, #tpu.memory_space<vmem>>, vector<16xf32>,
      tpu.vector_store %arg15[%swap3A_77, %swap3A_78], %broadcast_in_dim3A_3 {strides = array<i32>} : memref<64x128xf32, #tpu.memory_space<vmem>>, vector<16xf32>,
      %swap3A_80 = arith.index_cast %scan3A_58 : i32 to index
      %swap3A_81 = arith.constant 112 : index
      %swap3A_82 = tpu.vector_load %arg15[%swap3A_80, %swap3A_81] {strides = array<i32>} : memref<64x128xf32, #tpu.memory_space<vmem>>, vector<16xf32>,
      tpu.vector_store %arg15[%swap3A_80, %swap3A_81], %broadcast_in_dim3A_3 {strides = array<i32>} : memref<64x128xf32, #tpu.memory_space<vmem>>, vector<16xf32>,
      %scan3A_83 = arith.constant 0 : i32
      scf.yield %scan3A_83 : i32
    }
    %scan3A_9 = arith.constant 64 : i32
    %scan3A_10 = arith.constant 0 : i32
    %scan3A_11 = arith.constant 0 : i32
    %scan3A_12 = arith.constant 10 : i32
    %scan3A_13 = arith.addi %scan3A_11, %scan3A_12 : i32
    %scan3A_14 = arith.constant 1 : i32
    %scan3A_15 = scf.for %scan3A_58 = %scan3A_11 to %scan3A_13 step %scan3A_14 iter_args(%scan3A_59 = %scan3A_10) -> (i32)  : i32 {
      %mul3A_60 = arith.constant 640 : i32
      %mul3A_61 = arith.muli %arg1, %mul3A_60 : i32
      %mul3A_62 = arith.constant 64 : i32
      %mul3A_63 = arith.muli %scan3A_58, %mul3A_62 : i32
      %add3A_64 = arith.addi %mul3A_61, %mul3A_63 : i32
      "tpu.region"() ({
        %run_scoped3A = tpu.sem_alloc : memref<!tpu.dma_semaphore, #tpu.memory_space<semaphore_mem>>
        %dma_start3A = arith.constant 0 : i32
        %dma_start3A_66 = arith.constant 0 : i32
        %dma_start3A_67 = tpu.memref_slice %arg15[%dma_start3A, %dma_start3A_66] : memref<64x128xf32, #tpu.memory_space<vmem>> -> memref<64x128xf32, #tpu.memory_space<vmem>>
        %dma_start3A_68 = arith.constant 0 : i32
        %dma_start3A_69 = tpu.memref_slice %arg17[%add3A_64, %dma_start3A_68] : memref<10240x128xf32, #tpu.memory_space<vmem_shared>> -> memref<64x128xf32, #tpu.memory_space<vmem_shared>>
        %dma_start3A_70 = arith.constant 0 : i32
        %dma_start3A_71 = tpu.memref_slice %arg17[%add3A_64, %dma_start3A_70] : memref<10240x128xf32, #tpu.memory_space<vmem_shared>> -> memref<64x128xf32, #tpu.memory_space<vmem_shared>>
        %dma_start3A_72 = arith.constant 0 : i32
        %dma_start3A_73 = arith.constant 0 : i32
        %dma_start3A_74 = tpu.memref_slice %arg15[%dma_start3A_72, %dma_start3A_73] : memref<64x128xf32, #tpu.memory_space<vmem>> -> memref<64x128xf32, #tpu.memory_space<vmem>>
        tpu.enqueue_dma source(%dma_start3A_74 : memref<64x128xf32, #tpu.memory_space<vmem>>) target(%dma_start3A_71 : memref<64x128xf32, #tpu.memory_space<vmem_shared>>) target_semaphore(%run_scoped3A : memref<!tpu.dma_semaphore, #tpu.memory_space<semaphore_mem>>)
        %dma_wait3A = arith.constant 0 : i32
        %dma_wait3A_75 = arith.constant 0 : i32
        %dma_wait3A_76 = tpu.memref_slice %arg15[%dma_wait3A, %dma_wait3A_75] : memref<64x128xf32, #tpu.memory_space<vmem>> -> memref<64x128xf32, #tpu.memory_space<vmem>>
        %dma_wait3A_77 = arith.constant 0 : i32
        %dma_wait3A_78 = tpu.memref_slice %arg17[%add3A_64, %dma_wait3A_77] : memref<10240x128xf32, #tpu.memory_space<vmem_shared>> -> memref<64x128xf32, #tpu.memory_space<vmem_shared>>
        %dma_wait3A_79 = arith.constant 0 : i32
        %dma_wait3A_80 = tpu.memref_slice %arg17[%add3A_64, %dma_wait3A_79] : memref<10240x128xf32, #tpu.memory_space<vmem_shared>> -> memref<64x128xf32, #tpu.memory_space<vmem_shared>>
        %dma_wait3A_81 = arith.constant 0 : i32
        %dma_wait3A_82 = arith.constant 0 : i32
        %dma_wait3A_83 = tpu.memref_slice %arg15[%dma_wait3A_81, %dma_wait3A_82] : memref<64x128xf32, #tpu.memory_space<vmem>> -> memref<64x128xf32, #tpu.memory_space<vmem>>
        tpu.wait_dma2 semaphore(%run_scoped3A : memref<!tpu.dma_semaphore, #tpu.memory_space<semaphore_mem>>) src(%dma_wait3A_83 : memref<64x128xf32, #tpu.memory_space<vmem>>) dst(%dma_wait3A_80 : memref<64x128xf32, #tpu.memory_space<vmem_shared>>)
        tpu.yield
      }) : () -> ()
      %scan3A_65 = arith.constant 0 : i32
      scf.yield %scan3A_65 : i32
    }
    %scan3A_16 = arith.constant 10 : i32
    %scan3A_17 = arith.constant 0 : i32
    %scan3A_18 = arith.constant 0 : i32
    %scan3A_19 = arith.constant 80 : i32
    %scan3A_20 = arith.addi %scan3A_18, %scan3A_19 : i32
    %scan3A_21 = arith.constant 1 : i32
    %scan3A_22 = scf.for %scan3A_58 = %scan3A_18 to %scan3A_20 step %scan3A_21 iter_args(%scan3A_59 = %scan3A_17) -> (i32)  : i32 {
      %swap3A = arith.index_cast %scan3A_58 : i32 to index
      %swap3A_60 = arith.constant 0 : index
      %swap3A_61 = tpu.vector_load %arg16[%swap3A, %swap3A_60] {strides = array<i32>} : memref<80x128xf32, #tpu.memory_space<vmem>>, vector<16xf32>,
      tpu.vector_store %arg16[%swap3A, %swap3A_60], %broadcast_in_dim3A_3 {strides = array<i32>} : memref<80x128xf32, #tpu.memory_space<vmem>>, vector<16xf32>,
      %swap3A_62 = arith.index_cast %scan3A_58 : i32 to index
      %swap3A_63 = arith.constant 16 : index
      %swap3A_64 = tpu.vector_load %arg16[%swap3A_62, %swap3A_63] {strides = array<i32>} : memref<80x128xf32, #tpu.memory_space<vmem>>, vector<16xf32>,
      tpu.vector_store %arg16[%swap3A_62, %swap3A_63], %broadcast_in_dim3A_3 {strides = array<i32>} : memref<80x128xf32, #tpu.memory_space<vmem>>, vector<16xf32>,
      %swap3A_65 = arith.index_cast %scan3A_58 : i32 to index
      %swap3A_66 = arith.constant 32 : index
      %swap3A_67 = tpu.vector_load %arg16[%swap3A_65, %swap3A_66] {strides = array<i32>} : memref<80x128xf32, #tpu.memory_space<vmem>>, vector<16xf32>,
      tpu.vector_store %arg16[%swap3A_65, %swap3A_66], %broadcast_in_dim3A_3 {strides = array<i32>} : memref<80x128xf32, #tpu.memory_space<vmem>>, vector<16xf32>,
      %swap3A_68 = arith.index_cast %scan3A_58 : i32 to index
      %swap3A_69 = arith.constant 48 : index
      %swap3A_70 = tpu.vector_load %arg16[%swap3A_68, %swap3A_69] {strides = array<i32>} : memref<80x128xf32, #tpu.memory_space<vmem>>, vector<16xf32>,
      tpu.vector_store %arg16[%swap3A_68, %swap3A_69], %broadcast_in_dim3A_3 {strides = array<i32>} : memref<80x128xf32, #tpu.memory_space<vmem>>, vector<16xf32>,
      %swap3A_71 = arith.index_cast %scan3A_58 : i32 to index
      %swap3A_72 = arith.constant 64 : index
      %swap3A_73 = tpu.vector_load %arg16[%swap3A_71, %swap3A_72] {strides = array<i32>} : memref<80x128xf32, #tpu.memory_space<vmem>>, vector<16xf32>,
      tpu.vector_store %arg16[%swap3A_71, %swap3A_72], %broadcast_in_dim3A_3 {strides = array<i32>} : memref<80x128xf32, #tpu.memory_space<vmem>>, vector<16xf32>,
      %swap3A_74 = arith.index_cast %scan3A_58 : i32 to index
      %swap3A_75 = arith.constant 80 : index
      %swap3A_76 = tpu.vector_load %arg16[%swap3A_74, %swap3A_75] {strides = array<i32>} : memref<80x128xf32, #tpu.memory_space<vmem>>, vector<16xf32>,
      tpu.vector_store %arg16[%swap3A_74, %swap3A_75], %broadcast_in_dim3A_3 {strides = array<i32>} : memref<80x128xf32, #tpu.memory_space<vmem>>, vector<16xf32>,
      %swap3A_77 = arith.index_cast %scan3A_58 : i32 to index
      %swap3A_78 = arith.constant 96 : index
      %swap3A_79 = tpu.vector_load %arg16[%swap3A_77, %swap3A_78] {strides = array<i32>} : memref<80x128xf32, #tpu.memory_space<vmem>>, vector<16xf32>,
      tpu.vector_store %arg16[%swap3A_77, %swap3A_78], %broadcast_in_dim3A_3 {strides = array<i32>} : memref<80x128xf32, #tpu.memory_space<vmem>>, vector<16xf32>,
      %swap3A_80 = arith.index_cast %scan3A_58 : i32 to index
      %swap3A_81 = arith.constant 112 : index
      %swap3A_82 = tpu.vector_load %arg16[%swap3A_80, %swap3A_81] {strides = array<i32>} : memref<80x128xf32, #tpu.memory_space<vmem>>, vector<16xf32>,
      tpu.vector_store %arg16[%swap3A_80, %swap3A_81], %broadcast_in_dim3A_3 {strides = array<i32>} : memref<80x128xf32, #tpu.memory_space<vmem>>, vector<16xf32>,
      %scan3A_83 = arith.constant 0 : i32
      scf.yield %scan3A_83 : i32
    }
    %scan3A_23 = arith.constant 80 : i32
    %barrier3A = arith.constant 0 : index
    tpu.barrier barrier_id(%barrier3A)
    %broadcast_in_dim3A_24 = arith.constant 1.000000e+00 : f32
    %broadcast_in_dim3A_25 = vector.broadcast %broadcast_in_dim3A_24 : f32 to vector<16xf32>
    %scan3A_26 = arith.constant 0 : i32
    %scan3A_27 = arith.constant 0 : i32
    %scan3A_28 = arith.constant 160 : i32
    %scan3A_29 = arith.addi %scan3A_27, %scan3A_28 : i32
    %scan3A_30 = arith.constant 1 : i32
    %scan3A_31 = scf.for %scan3A_58 = %scan3A_27 to %scan3A_29 step %scan3A_30 iter_args(%scan3A_59 = %scan3A_26) -> (i32)  : i32 {
      %mul3A_60 = arith.constant 64 : i32
      %mul3A_61 = arith.muli %scan3A_58, %mul3A_60 : i32
      %add3A_62 = arith.addi %mul3A_2, %mul3A_61 : i32
      "tpu.region"() ({
        %run_scoped3A = tpu.sem_alloc : memref<!tpu.dma_semaphore, #tpu.memory_space<semaphore_mem>>
        %dma_start3A_96 = tpu.memref_slice %arg2[%add3A_62] : memref<327680xi32, #tpu.memory_space<hbm>> -> memref<64xi32, #tpu.memory_space<hbm>>
        %dma_start3A_97 = tpu.memref_slice %arg2[%add3A_62] : memref<327680xi32, #tpu.memory_space<hbm>> -> memref<64xi32, #tpu.memory_space<hbm>>
        tpu.enqueue_dma source(%dma_start3A_97 : memref<64xi32, #tpu.memory_space<hbm>>) target(%arg9 : memref<64xi32, #tpu.memory_space<vmem>>) target_semaphore(%run_scoped3A : memref<!tpu.dma_semaphore, #tpu.memory_space<semaphore_mem>>)
        %dma_wait3A_98 = tpu.memref_slice %arg2[%add3A_62] : memref<327680xi32, #tpu.memory_space<hbm>> -> memref<64xi32, #tpu.memory_space<hbm>>
        %dma_wait3A_99 = tpu.memref_slice %arg2[%add3A_62] : memref<327680xi32, #tpu.memory_space<hbm>> -> memref<64xi32, #tpu.memory_space<hbm>>
        tpu.wait_dma2 semaphore(%run_scoped3A : memref<!tpu.dma_semaphore, #tpu.memory_space<semaphore_mem>>) src(%dma_wait3A_99 : memref<64xi32, #tpu.memory_space<hbm>>) dst(%arg9 : memref<64xi32, #tpu.memory_space<vmem>>)
        tpu.yield
      }) : () -> ()
      "tpu.region"() ({
        %run_scoped3A = tpu.sem_alloc : memref<!tpu.dma_semaphore, #tpu.memory_space<semaphore_mem>>
        %dma_start3A_96 = tpu.memref_slice %arg3[%add3A_62] : memref<327680xi32, #tpu.memory_space<hbm>> -> memref<64xi32, #tpu.memory_space<hbm>>
        %dma_start3A_97 = tpu.memref_slice %arg3[%add3A_62] : memref<327680xi32, #tpu.memory_space<hbm>> -> memref<64xi32, #tpu.memory_space<hbm>>
        tpu.enqueue_dma source(%dma_start3A_97 : memref<64xi32, #tpu.memory_space<hbm>>) target(%arg10 : memref<64xi32, #tpu.memory_space<vmem>>) target_semaphore(%run_scoped3A : memref<!tpu.dma_semaphore, #tpu.memory_space<semaphore_mem>>)
        %dma_wait3A_98 = tpu.memref_slice %arg3[%add3A_62] : memref<327680xi32, #tpu.memory_space<hbm>> -> memref<64xi32, #tpu.memory_space<hbm>>
        %dma_wait3A_99 = tpu.memref_slice %arg3[%add3A_62] : memref<327680xi32, #tpu.memory_space<hbm>> -> memref<64xi32, #tpu.memory_space<hbm>>
        tpu.wait_dma2 semaphore(%run_scoped3A : memref<!tpu.dma_semaphore, #tpu.memory_space<semaphore_mem>>) src(%dma_wait3A_99 : memref<64xi32, #tpu.memory_space<hbm>>) dst(%arg10 : memref<64xi32, #tpu.memory_space<vmem>>)
        tpu.yield
      }) : () -> ()
      %dma_start3A = arith.constant 0 : i32
      %dma_start3A_63 = arith.constant 0 : i32
      %dma_start3A_64 = tpu.memref_slice %arg4[%dma_start3A, %dma_start3A_63] : memref<10240x128xf32, #tpu.memory_space<hbm>> -> memref<10240x128xf32, #tpu.memory_space<hbm>>
      tpu.enqueue_indirect_dma source(%dma_start3A_64 : memref<10240x128xf32, #tpu.memory_space<hbm>>) target(%arg12 : memref<64x128xf32, #tpu.memory_space<vmem>>) offsets(%arg9 : memref<64xi32, #tpu.memory_space<vmem>>) semaphore(%arg18 : memref<!tpu.dma_semaphore, #tpu.memory_space<semaphore_mem>>)
      %dma_start3A_65 = arith.constant 0 : i32
      %dma_start3A_66 = arith.constant 0 : i32
      %dma_start3A_67 = tpu.memref_slice %arg5[%dma_start3A_65, %dma_start3A_66] : memref<10240x128xf32, #tpu.memory_space<hbm>> -> memref<10240x128xf32, #tpu.memory_space<hbm>>
      tpu.enqueue_indirect_dma source(%dma_start3A_67 : memref<10240x128xf32, #tpu.memory_space<hbm>>) target(%arg13 : memref<64x128xf32, #tpu.memory_space<vmem>>) offsets(%arg10 : memref<64xi32, #tpu.memory_space<vmem>>) semaphore(%arg19 : memref<!tpu.dma_semaphore, #tpu.memory_space<semaphore_mem>>)
      %dma_start3A_68 = arith.constant 0 : i32
      %dma_start3A_69 = tpu.memref_slice %arg6[%add3A_62, %dma_start3A_68] : memref<327680x128xf32, #tpu.memory_space<hbm>> -> memref<64x128xf32, #tpu.memory_space<hbm>>
      %dma_start3A_70 = arith.constant 0 : i32
      %dma_start3A_71 = tpu.memref_slice %arg6[%add3A_62, %dma_start3A_70] : memref<327680x128xf32, #tpu.memory_space<hbm>> -> memref<64x128xf32, #tpu.memory_space<hbm>>
      tpu.enqueue_dma source(%dma_start3A_71 : memref<64x128xf32, #tpu.memory_space<hbm>>) target(%arg14 : memref<64x128xf32, #tpu.memory_space<vmem>>) target_semaphore(%arg20 : memref<!tpu.dma_semaphore, #tpu.memory_space<semaphore_mem>>)
      %scan3A_72 = arith.constant 0 : i32
      %scan3A_73 = arith.constant 0 : i32
      %scan3A_74 = arith.constant 4 : i32
      %scan3A_75 = arith.addi %scan3A_73, %scan3A_74 : i32
      %scan3A_76 = arith.constant 1 : i32
      %scan3A_77 = scf.for %scan3A_96 = %scan3A_73 to %scan3A_75 step %scan3A_76 iter_args(%scan3A_97 = %scan3A_72) -> (i32)  : i32 {
        %mul3A_98 = arith.constant 16 : i32
        %mul3A_99 = arith.muli %scan3A_96, %mul3A_98 : i32
        %get3A = arith.index_cast %mul3A_99 : i32 to index
        %get3A_100 = tpu.vector_load %arg10[%get3A] {strides = array<i32>} : memref<64xi32, #tpu.memory_space<vmem>>, vector<16xi32>,
        %shift_right_logical3A = arith.constant 7 : i32
        %shift_right_logical3A_101 = vector.broadcast %shift_right_logical3A : i32 to vector<16xi32>
        %shift_right_logical3A_102 = arith.shrui %get3A_100, %shift_right_logical3A_101 : vector<16xi32>
        %and3A = arith.constant 127 : i32
        %and3A_103 = vector.broadcast %and3A : i32 to vector<16xi32>
        %and3A_104 = arith.andi %get3A_100, %and3A_103 : vector<16xi32>
        tpu.vector_store_idx %arg16[%shift_right_logical3A_102, %and3A_104], %broadcast_in_dim3A_25 {add = true} : memref<80x128xf32, #tpu.memory_space<vmem>>[vector<16xi32>, vector<16xi32>], vector<16xf32>,
        %scan3A_105 = arith.constant 0 : i32
        scf.yield %scan3A_105 : i32
      }
      %scan3A_78 = arith.constant 4 : i32
      %dma_wait3A = arith.constant 0 : i32
      %dma_wait3A_79 = arith.constant 0 : i32
      %dma_wait3A_80 = tpu.memref_slice %arg4[%dma_wait3A, %dma_wait3A_79] : memref<10240x128xf32, #tpu.memory_space<hbm>> -> memref<10240x128xf32, #tpu.memory_space<hbm>>
      tpu.wait_indirect_dma semaphore(%arg18 : memref<!tpu.dma_semaphore, #tpu.memory_space<semaphore_mem>>) src(%dma_wait3A_80 : memref<10240x128xf32, #tpu.memory_space<hbm>>) dst(%arg12 : memref<64x128xf32, #tpu.memory_space<vmem>>)
      %dma_wait3A_81 = arith.constant 0 : i32
      %dma_wait3A_82 = arith.constant 0 : i32
      %dma_wait3A_83 = tpu.memref_slice %arg5[%dma_wait3A_81, %dma_wait3A_82] : memref<10240x128xf32, #tpu.memory_space<hbm>> -> memref<10240x128xf32, #tpu.memory_space<hbm>>
      tpu.wait_indirect_dma semaphore(%arg19 : memref<!tpu.dma_semaphore, #tpu.memory_space<semaphore_mem>>) src(%dma_wait3A_83 : memref<10240x128xf32, #tpu.memory_space<hbm>>) dst(%arg13 : memref<64x128xf32, #tpu.memory_space<vmem>>)
      %dma_wait3A_84 = arith.constant 0 : i32
      %dma_wait3A_85 = tpu.memref_slice %arg6[%add3A_62, %dma_wait3A_84] : memref<327680x128xf32, #tpu.memory_space<hbm>> -> memref<64x128xf32, #tpu.memory_space<hbm>>
      %dma_wait3A_86 = arith.constant 0 : i32
      %dma_wait3A_87 = tpu.memref_slice %arg6[%add3A_62, %dma_wait3A_86] : memref<327680x128xf32, #tpu.memory_space<hbm>> -> memref<64x128xf32, #tpu.memory_space<hbm>>
      tpu.wait_dma2 semaphore(%arg20 : memref<!tpu.dma_semaphore, #tpu.memory_space<semaphore_mem>>) src(%dma_wait3A_87 : memref<64x128xf32, #tpu.memory_space<hbm>>) dst(%arg14 : memref<64x128xf32, #tpu.memory_space<vmem>>)
      %scan3A_88 = arith.constant 0 : i32
      %scan3A_89 = arith.constant 0 : i32
      %scan3A_90 = arith.constant 64 : i32
      %scan3A_91 = arith.addi %scan3A_89, %scan3A_90 : i32
      %scan3A_92 = arith.constant 1 : i32
      %scan3A_93 = scf.for %scan3A_96 = %scan3A_89 to %scan3A_91 step %scan3A_92 iter_args(%scan3A_97 = %scan3A_88) -> (i32)  : i32 {
        %get3A = arith.index_cast %scan3A_96 : i32 to index
        %get3A_98 = arith.constant 0 : index
        %get3A_99 = tpu.vector_load %arg12[%get3A, %get3A_98] {strides = array<i32>} : memref<64x128xf32, #tpu.memory_space<vmem>>, vector<16xf32>,
        %get3A_100 = arith.index_cast %scan3A_96 : i32 to index
        %get3A_101 = arith.constant 0 : index
        %get3A_102 = tpu.vector_load %arg13[%get3A_100, %get3A_101] {strides = array<i32>} : memref<64x128xf32, #tpu.memory_space<vmem>>, vector<16xf32>,
        %add3A_103 = arith.addf %get3A_99, %get3A_102 : vector<16xf32>
        %get3A_104 = arith.index_cast %scan3A_96 : i32 to index
        %get3A_105 = arith.constant 0 : index
        %get3A_106 = tpu.vector_load %arg14[%get3A_104, %get3A_105] {strides = array<i32>} : memref<64x128xf32, #tpu.memory_space<vmem>>, vector<16xf32>,
        %add3A_107 = arith.addf %add3A_103, %get3A_106 : vector<16xf32>
        %max3A = arith.constant 0.000000e+00 : f32
        %max3A_108 = vector.broadcast %max3A : f32 to vector<16xf32>
        %max3A_109 = arith.maximumf %add3A_107, %max3A_108 : vector<16xf32>
        %swap3A = arith.index_cast %scan3A_96 : i32 to index
        %swap3A_110 = arith.constant 0 : index
        %swap3A_111 = tpu.vector_load %arg15[%swap3A, %swap3A_110] {strides = array<i32>} : memref<64x128xf32, #tpu.memory_space<vmem>>, vector<16xf32>,
        tpu.vector_store %arg15[%swap3A, %swap3A_110], %max3A_109 {strides = array<i32>} : memref<64x128xf32, #tpu.memory_space<vmem>>, vector<16xf32>,
        %get3A_112 = arith.index_cast %scan3A_96 : i32 to index
        %get3A_113 = arith.constant 16 : index
        %get3A_114 = tpu.vector_load %arg12[%get3A_112, %get3A_113] {strides = array<i32>} : memref<64x128xf32, #tpu.memory_space<vmem>>, vector<16xf32>,
        %get3A_115 = arith.index_cast %scan3A_96 : i32 to index
        %get3A_116 = arith.constant 16 : index
        %get3A_117 = tpu.vector_load %arg13[%get3A_115, %get3A_116] {strides = array<i32>} : memref<64x128xf32, #tpu.memory_space<vmem>>, vector<16xf32>,
        %add3A_118 = arith.addf %get3A_114, %get3A_117 : vector<16xf32>
        %get3A_119 = arith.index_cast %scan3A_96 : i32 to index
        %get3A_120 = arith.constant 16 : index
        %get3A_121 = tpu.vector_load %arg14[%get3A_119, %get3A_120] {strides = array<i32>} : memref<64x128xf32, #tpu.memory_space<vmem>>, vector<16xf32>,
        %add3A_122 = arith.addf %add3A_118, %get3A_121 : vector<16xf32>
        %max3A_123 = arith.constant 0.000000e+00 : f32
        %max3A_124 = vector.broadcast %max3A_123 : f32 to vector<16xf32>
        %max3A_125 = arith.maximumf %add3A_122, %max3A_124 : vector<16xf32>
        %swap3A_126 = arith.index_cast %scan3A_96 : i32 to index
        %swap3A_127 = arith.constant 16 : index
        %swap3A_128 = tpu.vector_load %arg15[%swap3A_126, %swap3A_127] {strides = array<i32>} : memref<64x128xf32, #tpu.memory_space<vmem>>, vector<16xf32>,
        tpu.vector_store %arg15[%swap3A_126, %swap3A_127], %max3A_125 {strides = array<i32>} : memref<64x128xf32, #tpu.memory_space<vmem>>, vector<16xf32>,
        %get3A_129 = arith.index_cast %scan3A_96 : i32 to index
        %get3A_130 = arith.constant 32 : index
        %get3A_131 = tpu.vector_load %arg12[%get3A_129, %get3A_130] {strides = array<i32>} : memref<64x128xf32, #tpu.memory_space<vmem>>, vector<16xf32>,
        %get3A_132 = arith.index_cast %scan3A_96 : i32 to index
        %get3A_133 = arith.constant 32 : index
        %get3A_134 = tpu.vector_load %arg13[%get3A_132, %get3A_133] {strides = array<i32>} : memref<64x128xf32, #tpu.memory_space<vmem>>, vector<16xf32>,
        %add3A_135 = arith.addf %get3A_131, %get3A_134 : vector<16xf32>
        %get3A_136 = arith.index_cast %scan3A_96 : i32 to index
        %get3A_137 = arith.constant 32 : index
        %get3A_138 = tpu.vector_load %arg14[%get3A_136, %get3A_137] {strides = array<i32>} : memref<64x128xf32, #tpu.memory_space<vmem>>, vector<16xf32>,
        %add3A_139 = arith.addf %add3A_135, %get3A_138 : vector<16xf32>
        %max3A_140 = arith.constant 0.000000e+00 : f32
        %max3A_141 = vector.broadcast %max3A_140 : f32 to vector<16xf32>
        %max3A_142 = arith.maximumf %add3A_139, %max3A_141 : vector<16xf32>
        %swap3A_143 = arith.index_cast %scan3A_96 : i32 to index
        %swap3A_144 = arith.constant 32 : index
        %swap3A_145 = tpu.vector_load %arg15[%swap3A_143, %swap3A_144] {strides = array<i32>} : memref<64x128xf32, #tpu.memory_space<vmem>>, vector<16xf32>,
        tpu.vector_store %arg15[%swap3A_143, %swap3A_144], %max3A_142 {strides = array<i32>} : memref<64x128xf32, #tpu.memory_space<vmem>>, vector<16xf32>,
        %get3A_146 = arith.index_cast %scan3A_96 : i32 to index
        %get3A_147 = arith.constant 48 : index
        %get3A_148 = tpu.vector_load %arg12[%get3A_146, %get3A_147] {strides = array<i32>} : memref<64x128xf32, #tpu.memory_space<vmem>>, vector<16xf32>,
        %get3A_149 = arith.index_cast %scan3A_96 : i32 to index
        %get3A_150 = arith.constant 48 : index
        %get3A_151 = tpu.vector_load %arg13[%get3A_149, %get3A_150] {strides = array<i32>} : memref<64x128xf32, #tpu.memory_space<vmem>>, vector<16xf32>,
        %add3A_152 = arith.addf %get3A_148, %get3A_151 : vector<16xf32>
        %get3A_153 = arith.index_cast %scan3A_96 : i32 to index
        %get3A_154 = arith.constant 48 : index
        %get3A_155 = tpu.vector_load %arg14[%get3A_153, %get3A_154] {strides = array<i32>} : memref<64x128xf32, #tpu.memory_space<vmem>>, vector<16xf32>,
        %add3A_156 = arith.addf %add3A_152, %get3A_155 : vector<16xf32>
        %max3A_157 = arith.constant 0.000000e+00 : f32
        %max3A_158 = vector.broadcast %max3A_157 : f32 to vector<16xf32>
        %max3A_159 = arith.maximumf %add3A_156, %max3A_158 : vector<16xf32>
        %swap3A_160 = arith.index_cast %scan3A_96 : i32 to index
        %swap3A_161 = arith.constant 48 : index
        %swap3A_162 = tpu.vector_load %arg15[%swap3A_160, %swap3A_161] {strides = array<i32>} : memref<64x128xf32, #tpu.memory_space<vmem>>, vector<16xf32>,
        tpu.vector_store %arg15[%swap3A_160, %swap3A_161], %max3A_159 {strides = array<i32>} : memref<64x128xf32, #tpu.memory_space<vmem>>, vector<16xf32>,
        %get3A_163 = arith.index_cast %scan3A_96 : i32 to index
        %get3A_164 = arith.constant 64 : index
        %get3A_165 = tpu.vector_load %arg12[%get3A_163, %get3A_164] {strides = array<i32>} : memref<64x128xf32, #tpu.memory_space<vmem>>, vector<16xf32>,
        %get3A_166 = arith.index_cast %scan3A_96 : i32 to index
        %get3A_167 = arith.constant 64 : index
        %get3A_168 = tpu.vector_load %arg13[%get3A_166, %get3A_167] {strides = array<i32>} : memref<64x128xf32, #tpu.memory_space<vmem>>, vector<16xf32>,
        %add3A_169 = arith.addf %get3A_165, %get3A_168 : vector<16xf32>
        %get3A_170 = arith.index_cast %scan3A_96 : i32 to index
        %get3A_171 = arith.constant 64 : index
        %get3A_172 = tpu.vector_load %arg14[%get3A_170, %get3A_171] {strides = array<i32>} : memref<64x128xf32, #tpu.memory_space<vmem>>, vector<16xf32>,
        %add3A_173 = arith.addf %add3A_169, %get3A_172 : vector<16xf32>
        %max3A_174 = arith.constant 0.000000e+00 : f32
        %max3A_175 = vector.broadcast %max3A_174 : f32 to vector<16xf32>
        %max3A_176 = arith.maximumf %add3A_173, %max3A_175 : vector<16xf32>
        %swap3A_177 = arith.index_cast %scan3A_96 : i32 to index
        %swap3A_178 = arith.constant 64 : index
        %swap3A_179 = tpu.vector_load %arg15[%swap3A_177, %swap3A_178] {strides = array<i32>} : memref<64x128xf32, #tpu.memory_space<vmem>>, vector<16xf32>,
        tpu.vector_store %arg15[%swap3A_177, %swap3A_178], %max3A_176 {strides = array<i32>} : memref<64x128xf32, #tpu.memory_space<vmem>>, vector<16xf32>,
        %get3A_180 = arith.index_cast %scan3A_96 : i32 to index
        %get3A_181 = arith.constant 80 : index
        %get3A_182 = tpu.vector_load %arg12[%get3A_180, %get3A_181] {strides = array<i32>} : memref<64x128xf32, #tpu.memory_space<vmem>>, vector<16xf32>,
        %get3A_183 = arith.index_cast %scan3A_96 : i32 to index
        %get3A_184 = arith.constant 80 : index
        %get3A_185 = tpu.vector_load %arg13[%get3A_183, %get3A_184] {strides = array<i32>} : memref<64x128xf32, #tpu.memory_space<vmem>>, vector<16xf32>,
        %add3A_186 = arith.addf %get3A_182, %get3A_185 : vector<16xf32>
        %get3A_187 = arith.index_cast %scan3A_96 : i32 to index
        %get3A_188 = arith.constant 80 : index
        %get3A_189 = tpu.vector_load %arg14[%get3A_187, %get3A_188] {strides = array<i32>} : memref<64x128xf32, #tpu.memory_space<vmem>>, vector<16xf32>,
        %add3A_190 = arith.addf %add3A_186, %get3A_189 : vector<16xf32>
        %max3A_191 = arith.constant 0.000000e+00 : f32
        %max3A_192 = vector.broadcast %max3A_191 : f32 to vector<16xf32>
        %max3A_193 = arith.maximumf %add3A_190, %max3A_192 : vector<16xf32>
        %swap3A_194 = arith.index_cast %scan3A_96 : i32 to index
        %swap3A_195 = arith.constant 80 : index
        %swap3A_196 = tpu.vector_load %arg15[%swap3A_194, %swap3A_195] {strides = array<i32>} : memref<64x128xf32, #tpu.memory_space<vmem>>, vector<16xf32>,
        tpu.vector_store %arg15[%swap3A_194, %swap3A_195], %max3A_193 {strides = array<i32>} : memref<64x128xf32, #tpu.memory_space<vmem>>, vector<16xf32>,
        %get3A_197 = arith.index_cast %scan3A_96 : i32 to index
        %get3A_198 = arith.constant 96 : index
        %get3A_199 = tpu.vector_load %arg12[%get3A_197, %get3A_198] {strides = array<i32>} : memref<64x128xf32, #tpu.memory_space<vmem>>, vector<16xf32>,
        %get3A_200 = arith.index_cast %scan3A_96 : i32 to index
        %get3A_201 = arith.constant 96 : index
        %get3A_202 = tpu.vector_load %arg13[%get3A_200, %get3A_201] {strides = array<i32>} : memref<64x128xf32, #tpu.memory_space<vmem>>, vector<16xf32>,
        %add3A_203 = arith.addf %get3A_199, %get3A_202 : vector<16xf32>
        %get3A_204 = arith.index_cast %scan3A_96 : i32 to index
        %get3A_205 = arith.constant 96 : index
        %get3A_206 = tpu.vector_load %arg14[%get3A_204, %get3A_205] {strides = array<i32>} : memref<64x128xf32, #tpu.memory_space<vmem>>, vector<16xf32>,
        %add3A_207 = arith.addf %add3A_203, %get3A_206 : vector<16xf32>
        %max3A_208 = arith.constant 0.000000e+00 : f32
        %max3A_209 = vector.broadcast %max3A_208 : f32 to vector<16xf32>
        %max3A_210 = arith.maximumf %add3A_207, %max3A_209 : vector<16xf32>
        %swap3A_211 = arith.index_cast %scan3A_96 : i32 to index
        %swap3A_212 = arith.constant 96 : index
        %swap3A_213 = tpu.vector_load %arg15[%swap3A_211, %swap3A_212] {strides = array<i32>} : memref<64x128xf32, #tpu.memory_space<vmem>>, vector<16xf32>,
        tpu.vector_store %arg15[%swap3A_211, %swap3A_212], %max3A_210 {strides = array<i32>} : memref<64x128xf32, #tpu.memory_space<vmem>>, vector<16xf32>,
        %get3A_214 = arith.index_cast %scan3A_96 : i32 to index
        %get3A_215 = arith.constant 112 : index
        %get3A_216 = tpu.vector_load %arg12[%get3A_214, %get3A_215] {strides = array<i32>} : memref<64x128xf32, #tpu.memory_space<vmem>>, vector<16xf32>,
        %get3A_217 = arith.index_cast %scan3A_96 : i32 to index
        %get3A_218 = arith.constant 112 : index
        %get3A_219 = tpu.vector_load %arg13[%get3A_217, %get3A_218] {strides = array<i32>} : memref<64x128xf32, #tpu.memory_space<vmem>>, vector<16xf32>,
        %add3A_220 = arith.addf %get3A_216, %get3A_219 : vector<16xf32>
        %get3A_221 = arith.index_cast %scan3A_96 : i32 to index
        %get3A_222 = arith.constant 112 : index
        %get3A_223 = tpu.vector_load %arg14[%get3A_221, %get3A_222] {strides = array<i32>} : memref<64x128xf32, #tpu.memory_space<vmem>>, vector<16xf32>,
        %add3A_224 = arith.addf %add3A_220, %get3A_223 : vector<16xf32>
        %max3A_225 = arith.constant 0.000000e+00 : f32
        %max3A_226 = vector.broadcast %max3A_225 : f32 to vector<16xf32>
        %max3A_227 = arith.maximumf %add3A_224, %max3A_226 : vector<16xf32>
        %swap3A_228 = arith.index_cast %scan3A_96 : i32 to index
        %swap3A_229 = arith.constant 112 : index
        %swap3A_230 = tpu.vector_load %arg15[%swap3A_228, %swap3A_229] {strides = array<i32>} : memref<64x128xf32, #tpu.memory_space<vmem>>, vector<16xf32>,
        tpu.vector_store %arg15[%swap3A_228, %swap3A_229], %max3A_227 {strides = array<i32>} : memref<64x128xf32, #tpu.memory_space<vmem>>, vector<16xf32>,
        %scan3A_231 = arith.constant 0 : i32
        scf.yield %scan3A_231 : i32
      }
      %scan3A_94 = arith.constant 64 : i32
      "tpu.region"() ({
        %run_scoped3A = tpu.sem_alloc : memref<!tpu.dma_semaphore, #tpu.memory_space<semaphore_mem>>
        %dma_start3A_96 = arith.constant 0 : i32
        %dma_start3A_97 = arith.constant 0 : i32
        %dma_start3A_98 = tpu.memref_slice %arg17[%dma_start3A_96, %dma_start3A_97] : memref<10240x128xf32, #tpu.memory_space<vmem_shared>> -> memref<10240x128xf32, #tpu.memory_space<vmem_shared>>
        tpu.enqueue_indirect_dma source(%arg15 : memref<64x128xf32, #tpu.memory_space<vmem>>) target(%dma_start3A_98 : memref<10240x128xf32, #tpu.memory_space<vmem_shared>>) offsets(%arg10 : memref<64xi32, #tpu.memory_space<vmem>>) semaphore(%run_scoped3A : memref<!tpu.dma_semaphore, #tpu.memory_space<semaphore_mem>>) {add = true}
        %dma_wait3A_99 = arith.constant 0 : i32
        %dma_wait3A_100 = arith.constant 0 : i32
        %dma_wait3A_101 = tpu.memref_slice %arg17[%dma_wait3A_99, %dma_wait3A_100] : memref<10240x128xf32, #tpu.memory_space<vmem_shared>> -> memref<10240x128xf32, #tpu.memory_space<vmem_shared>>
        tpu.wait_indirect_dma semaphore(%run_scoped3A : memref<!tpu.dma_semaphore, #tpu.memory_space<semaphore_mem>>) src(%arg15 : memref<64x128xf32, #tpu.memory_space<vmem>>) dst(%dma_wait3A_101 : memref<10240x128xf32, #tpu.memory_space<vmem_shared>>)
        tpu.yield
      }) : () -> ()
      %scan3A_95 = arith.constant 0 : i32
      scf.yield %scan3A_95 : i32
    }
    %scan3A_32 = arith.constant 160 : i32
    %barrier3A_33 = arith.constant 0 : index
    tpu.barrier barrier_id(%barrier3A_33)
    %scan3A_34 = arith.constant 0 : i32
    %scan3A_35 = arith.constant 0 : i32
    %scan3A_36 = arith.constant 10 : i32
    %scan3A_37 = arith.addi %scan3A_35, %scan3A_36 : i32
    %scan3A_38 = arith.constant 1 : i32
    %scan3A_39 = scf.for %scan3A_58 = %scan3A_35 to %scan3A_37 step %scan3A_38 iter_args(%scan3A_59 = %scan3A_34) -> (i32)  : i32 {
      %mul3A_60 = arith.constant 640 : i32
      %mul3A_61 = arith.muli %arg1, %mul3A_60 : i32
      %mul3A_62 = arith.constant 64 : i32
      %mul3A_63 = arith.muli %scan3A_58, %mul3A_62 : i32
      %add3A_64 = arith.addi %mul3A_61, %mul3A_63 : i32
      "tpu.region"() ({
        %run_scoped3A = tpu.sem_alloc : memref<!tpu.dma_semaphore, #tpu.memory_space<semaphore_mem>>
        %dma_start3A = arith.constant 0 : i32
        %dma_start3A_66 = arith.constant 0 : i32
        %dma_start3A_67 = tpu.memref_slice %arg15[%dma_start3A, %dma_start3A_66] : memref<64x128xf32, #tpu.memory_space<vmem>> -> memref<64x128xf32, #tpu.memory_space<vmem>>
        %dma_start3A_68 = arith.constant 0 : i32
        %dma_start3A_69 = tpu.memref_slice %arg17[%add3A_64, %dma_start3A_68] : memref<10240x128xf32, #tpu.memory_space<vmem_shared>> -> memref<64x128xf32, #tpu.memory_space<vmem_shared>>
        %dma_start3A_70 = arith.constant 0 : i32
        %dma_start3A_71 = arith.constant 0 : i32
        %dma_start3A_72 = tpu.memref_slice %arg15[%dma_start3A_70, %dma_start3A_71] : memref<64x128xf32, #tpu.memory_space<vmem>> -> memref<64x128xf32, #tpu.memory_space<vmem>>
        %dma_start3A_73 = arith.constant 0 : i32
        %dma_start3A_74 = tpu.memref_slice %arg17[%add3A_64, %dma_start3A_73] : memref<10240x128xf32, #tpu.memory_space<vmem_shared>> -> memref<64x128xf32, #tpu.memory_space<vmem_shared>>
        tpu.enqueue_dma source(%dma_start3A_74 : memref<64x128xf32, #tpu.memory_space<vmem_shared>>) target(%dma_start3A_72 : memref<64x128xf32, #tpu.memory_space<vmem>>) target_semaphore(%run_scoped3A : memref<!tpu.dma_semaphore, #tpu.memory_space<semaphore_mem>>)
        %dma_wait3A = arith.constant 0 : i32
        %dma_wait3A_75 = arith.constant 0 : i32
        %dma_wait3A_76 = tpu.memref_slice %arg15[%dma_wait3A, %dma_wait3A_75] : memref<64x128xf32, #tpu.memory_space<vmem>> -> memref<64x128xf32, #tpu.memory_space<vmem>>
        %dma_wait3A_77 = arith.constant 0 : i32
        %dma_wait3A_78 = tpu.memref_slice %arg17[%add3A_64, %dma_wait3A_77] : memref<10240x128xf32, #tpu.memory_space<vmem_shared>> -> memref<64x128xf32, #tpu.memory_space<vmem_shared>>
        %dma_wait3A_79 = arith.constant 0 : i32
        %dma_wait3A_80 = arith.constant 0 : i32
        %dma_wait3A_81 = tpu.memref_slice %arg15[%dma_wait3A_79, %dma_wait3A_80] : memref<64x128xf32, #tpu.memory_space<vmem>> -> memref<64x128xf32, #tpu.memory_space<vmem>>
        %dma_wait3A_82 = arith.constant 0 : i32
        %dma_wait3A_83 = tpu.memref_slice %arg17[%add3A_64, %dma_wait3A_82] : memref<10240x128xf32, #tpu.memory_space<vmem_shared>> -> memref<64x128xf32, #tpu.memory_space<vmem_shared>>
        tpu.wait_dma2 semaphore(%run_scoped3A : memref<!tpu.dma_semaphore, #tpu.memory_space<semaphore_mem>>) src(%dma_wait3A_83 : memref<64x128xf32, #tpu.memory_space<vmem_shared>>) dst(%dma_wait3A_81 : memref<64x128xf32, #tpu.memory_space<vmem>>)
        tpu.yield
      }) : () -> ()
      "tpu.region"() ({
        %run_scoped3A = tpu.sem_alloc : memref<!tpu.dma_semaphore, #tpu.memory_space<semaphore_mem>>
        %dma_start3A = arith.constant 0 : i32
        %dma_start3A_66 = arith.constant 0 : i32
        %dma_start3A_67 = tpu.memref_slice %arg15[%dma_start3A, %dma_start3A_66] : memref<64x128xf32, #tpu.memory_space<vmem>> -> memref<64x128xf32, #tpu.memory_space<vmem>>
        %dma_start3A_68 = arith.constant 0 : i32
        %dma_start3A_69 = tpu.memref_slice %arg7[%arg0, %add3A_64, %dma_start3A_68] : memref<2x10240x128xf32, #tpu.memory_space<hbm>> -> memref<1x64x128xf32, #tpu.memory_space<hbm>>
        %dma_start3A_70 = tpu.memref_squeeze %dma_start3A_69 : memref<1x64x128xf32, #tpu.memory_space<hbm>> -> memref<64x128xf32, #tpu.memory_space<hbm>>
        %dma_start3A_71 = arith.constant 0 : i32
        %dma_start3A_72 = tpu.memref_slice %arg7[%arg0, %add3A_64, %dma_start3A_71] : memref<2x10240x128xf32, #tpu.memory_space<hbm>> -> memref<1x64x128xf32, #tpu.memory_space<hbm>>
        %dma_start3A_73 = tpu.memref_squeeze %dma_start3A_72 : memref<1x64x128xf32, #tpu.memory_space<hbm>> -> memref<64x128xf32, #tpu.memory_space<hbm>>
        %dma_start3A_74 = arith.constant 0 : i32
        %dma_start3A_75 = arith.constant 0 : i32
        %dma_start3A_76 = tpu.memref_slice %arg15[%dma_start3A_74, %dma_start3A_75] : memref<64x128xf32, #tpu.memory_space<vmem>> -> memref<64x128xf32, #tpu.memory_space<vmem>>
        tpu.enqueue_dma source(%dma_start3A_76 : memref<64x128xf32, #tpu.memory_space<vmem>>) target(%dma_start3A_73 : memref<64x128xf32, #tpu.memory_space<hbm>>) target_semaphore(%run_scoped3A : memref<!tpu.dma_semaphore, #tpu.memory_space<semaphore_mem>>)
        %dma_wait3A = arith.constant 0 : i32
        %dma_wait3A_77 = arith.constant 0 : i32
        %dma_wait3A_78 = tpu.memref_slice %arg15[%dma_wait3A, %dma_wait3A_77] : memref<64x128xf32, #tpu.memory_space<vmem>> -> memref<64x128xf32, #tpu.memory_space<vmem>>
        %dma_wait3A_79 = arith.constant 0 : i32
        %dma_wait3A_80 = tpu.memref_slice %arg7[%arg0, %add3A_64, %dma_wait3A_79] : memref<2x10240x128xf32, #tpu.memory_space<hbm>> -> memref<1x64x128xf32, #tpu.memory_space<hbm>>
        %dma_wait3A_81 = tpu.memref_squeeze %dma_wait3A_80 : memref<1x64x128xf32, #tpu.memory_space<hbm>> -> memref<64x128xf32, #tpu.memory_space<hbm>>
        %dma_wait3A_82 = arith.constant 0 : i32
        %dma_wait3A_83 = tpu.memref_slice %arg7[%arg0, %add3A_64, %dma_wait3A_82] : memref<2x10240x128xf32, #tpu.memory_space<hbm>> -> memref<1x64x128xf32, #tpu.memory_space<hbm>>
        %dma_wait3A_84 = tpu.memref_squeeze %dma_wait3A_83 : memref<1x64x128xf32, #tpu.memory_space<hbm>> -> memref<64x128xf32, #tpu.memory_space<hbm>>
        %dma_wait3A_85 = arith.constant 0 : i32
        %dma_wait3A_86 = arith.constant 0 : i32
        %dma_wait3A_87 = tpu.memref_slice %arg15[%dma_wait3A_85, %dma_wait3A_86] : memref<64x128xf32, #tpu.memory_space<vmem>> -> memref<64x128xf32, #tpu.memory_space<vmem>>
        tpu.wait_dma2 semaphore(%run_scoped3A : memref<!tpu.dma_semaphore, #tpu.memory_space<semaphore_mem>>) src(%dma_wait3A_87 : memref<64x128xf32, #tpu.memory_space<vmem>>) dst(%dma_wait3A_84 : memref<64x128xf32, #tpu.memory_space<hbm>>)
        tpu.yield
      }) : () -> ()
      %scan3A_65 = arith.constant 0 : i32
      scf.yield %scan3A_65 : i32
    }
    %scan3A_40 = arith.constant 10 : i32
    %barrier3A_41 = arith.constant 0 : index
    tpu.barrier barrier_id(%barrier3A_41)
    %eq3A = arith.constant 0 : i32
    %eq3A_42 = arith.cmpi eq, %arg1, %eq3A : i32
    %convert_element_type3A = arith.extui %eq3A_42 : i1 to i32
    %cond3A = arith.constant 0 : i32
    %cond3A_43 = arith.cmpi ne, %convert_element_type3A, %cond3A : i32
    scf.if %cond3A_43 {
      %scan3A_58 = arith.constant 0 : i32
      %scan3A_59 = arith.constant 0 : i32
      %scan3A_60 = arith.constant 64 : i32
      %scan3A_61 = arith.addi %scan3A_59, %scan3A_60 : i32
      %scan3A_62 = arith.constant 1 : i32
      %scan3A_63 = scf.for %scan3A_72 = %scan3A_59 to %scan3A_61 step %scan3A_62 iter_args(%scan3A_73 = %scan3A_58) -> (i32)  : i32 {
        %swap3A = arith.index_cast %scan3A_72 : i32 to index
        %swap3A_74 = arith.constant 0 : index
        %swap3A_75 = tpu.vector_load %arg15[%swap3A, %swap3A_74] {strides = array<i32>} : memref<64x128xf32, #tpu.memory_space<vmem>>, vector<16xf32>,
        tpu.vector_store %arg15[%swap3A, %swap3A_74], %broadcast_in_dim3A_3 {strides = array<i32>} : memref<64x128xf32, #tpu.memory_space<vmem>>, vector<16xf32>,
        %swap3A_76 = arith.index_cast %scan3A_72 : i32 to index
        %swap3A_77 = arith.constant 16 : index
        %swap3A_78 = tpu.vector_load %arg15[%swap3A_76, %swap3A_77] {strides = array<i32>} : memref<64x128xf32, #tpu.memory_space<vmem>>, vector<16xf32>,
        tpu.vector_store %arg15[%swap3A_76, %swap3A_77], %broadcast_in_dim3A_3 {strides = array<i32>} : memref<64x128xf32, #tpu.memory_space<vmem>>, vector<16xf32>,
        %swap3A_79 = arith.index_cast %scan3A_72 : i32 to index
        %swap3A_80 = arith.constant 32 : index
        %swap3A_81 = tpu.vector_load %arg15[%swap3A_79, %swap3A_80] {strides = array<i32>} : memref<64x128xf32, #tpu.memory_space<vmem>>, vector<16xf32>,
        tpu.vector_store %arg15[%swap3A_79, %swap3A_80], %broadcast_in_dim3A_3 {strides = array<i32>} : memref<64x128xf32, #tpu.memory_space<vmem>>, vector<16xf32>,
        %swap3A_82 = arith.index_cast %scan3A_72 : i32 to index
        %swap3A_83 = arith.constant 48 : index
        %swap3A_84 = tpu.vector_load %arg15[%swap3A_82, %swap3A_83] {strides = array<i32>} : memref<64x128xf32, #tpu.memory_space<vmem>>, vector<16xf32>,
        tpu.vector_store %arg15[%swap3A_82, %swap3A_83], %broadcast_in_dim3A_3 {strides = array<i32>} : memref<64x128xf32, #tpu.memory_space<vmem>>, vector<16xf32>,
        %swap3A_85 = arith.index_cast %scan3A_72 : i32 to index
        %swap3A_86 = arith.constant 64 : index
        %swap3A_87 = tpu.vector_load %arg15[%swap3A_85, %swap3A_86] {strides = array<i32>} : memref<64x128xf32, #tpu.memory_space<vmem>>, vector<16xf32>,
        tpu.vector_store %arg15[%swap3A_85, %swap3A_86], %broadcast_in_dim3A_3 {strides = array<i32>} : memref<64x128xf32, #tpu.memory_space<vmem>>, vector<16xf32>,
        %swap3A_88 = arith.index_cast %scan3A_72 : i32 to index
        %swap3A_89 = arith.constant 80 : index
        %swap3A_90 = tpu.vector_load %arg15[%swap3A_88, %swap3A_89] {strides = array<i32>} : memref<64x128xf32, #tpu.memory_space<vmem>>, vector<16xf32>,
        tpu.vector_store %arg15[%swap3A_88, %swap3A_89], %broadcast_in_dim3A_3 {strides = array<i32>} : memref<64x128xf32, #tpu.memory_space<vmem>>, vector<16xf32>,
        %swap3A_91 = arith.index_cast %scan3A_72 : i32 to index
        %swap3A_92 = arith.constant 96 : index
        %swap3A_93 = tpu.vector_load %arg15[%swap3A_91, %swap3A_92] {strides = array<i32>} : memref<64x128xf32, #tpu.memory_space<vmem>>, vector<16xf32>,
        tpu.vector_store %arg15[%swap3A_91, %swap3A_92], %broadcast_in_dim3A_3 {strides = array<i32>} : memref<64x128xf32, #tpu.memory_space<vmem>>, vector<16xf32>,
        %swap3A_94 = arith.index_cast %scan3A_72 : i32 to index
        %swap3A_95 = arith.constant 112 : index
        %swap3A_96 = tpu.vector_load %arg15[%swap3A_94, %swap3A_95] {strides = array<i32>} : memref<64x128xf32, #tpu.memory_space<vmem>>, vector<16xf32>,
        tpu.vector_store %arg15[%swap3A_94, %swap3A_95], %broadcast_in_dim3A_3 {strides = array<i32>} : memref<64x128xf32, #tpu.memory_space<vmem>>, vector<16xf32>,
        %scan3A_97 = arith.constant 0 : i32
        scf.yield %scan3A_97 : i32
      }
      %scan3A_64 = arith.constant 64 : i32
      %scan3A_65 = arith.constant 0 : i32
      %scan3A_66 = arith.constant 0 : i32
      %scan3A_67 = arith.constant 2 : i32
      %scan3A_68 = arith.addi %scan3A_66, %scan3A_67 : i32
      %scan3A_69 = arith.constant 1 : i32
      %scan3A_70 = scf.for %scan3A_72 = %scan3A_66 to %scan3A_68 step %scan3A_69 iter_args(%scan3A_73 = %scan3A_65) -> (i32)  : i32 {
        %mul3A_74 = arith.constant 40 : i32
        %mul3A_75 = arith.muli %scan3A_72, %mul3A_74 : i32
        "tpu.region"() ({
          %run_scoped3A = tpu.sem_alloc : memref<!tpu.dma_semaphore, #tpu.memory_space<semaphore_mem>>
          %dma_start3A = arith.constant 0 : i32
          %dma_start3A_77 = arith.constant 0 : i32
          %dma_start3A_78 = tpu.memref_slice %arg15[%dma_start3A, %dma_start3A_77] : memref<64x128xf32, #tpu.memory_space<vmem>> -> memref<40x128xf32, #tpu.memory_space<vmem>>
          %dma_start3A_79 = arith.constant 0 : i32
          %dma_start3A_80 = tpu.memref_slice %arg17[%mul3A_75, %dma_start3A_79] : memref<10240x128xf32, #tpu.memory_space<vmem_shared>> -> memref<40x128xf32, #tpu.memory_space<vmem_shared>>
          %dma_start3A_81 = arith.constant 0 : i32
          %dma_start3A_82 = tpu.memref_slice %arg17[%mul3A_75, %dma_start3A_81] : memref<10240x128xf32, #tpu.memory_space<vmem_shared>> -> memref<40x128xf32, #tpu.memory_space<vmem_shared>>
          %dma_start3A_83 = arith.constant 0 : i32
          %dma_start3A_84 = arith.constant 0 : i32
          %dma_start3A_85 = tpu.memref_slice %arg15[%dma_start3A_83, %dma_start3A_84] : memref<64x128xf32, #tpu.memory_space<vmem>> -> memref<40x128xf32, #tpu.memory_space<vmem>>
          tpu.enqueue_dma source(%dma_start3A_85 : memref<40x128xf32, #tpu.memory_space<vmem>>) target(%dma_start3A_82 : memref<40x128xf32, #tpu.memory_space<vmem_shared>>) target_semaphore(%run_scoped3A : memref<!tpu.dma_semaphore, #tpu.memory_space<semaphore_mem>>)
          %dma_wait3A = arith.constant 0 : i32
          %dma_wait3A_86 = arith.constant 0 : i32
          %dma_wait3A_87 = tpu.memref_slice %arg15[%dma_wait3A, %dma_wait3A_86] : memref<64x128xf32, #tpu.memory_space<vmem>> -> memref<40x128xf32, #tpu.memory_space<vmem>>
          %dma_wait3A_88 = arith.constant 0 : i32
          %dma_wait3A_89 = tpu.memref_slice %arg17[%mul3A_75, %dma_wait3A_88] : memref<10240x128xf32, #tpu.memory_space<vmem_shared>> -> memref<40x128xf32, #tpu.memory_space<vmem_shared>>
          %dma_wait3A_90 = arith.constant 0 : i32
          %dma_wait3A_91 = tpu.memref_slice %arg17[%mul3A_75, %dma_wait3A_90] : memref<10240x128xf32, #tpu.memory_space<vmem_shared>> -> memref<40x128xf32, #tpu.memory_space<vmem_shared>>
          %dma_wait3A_92 = arith.constant 0 : i32
          %dma_wait3A_93 = arith.constant 0 : i32
          %dma_wait3A_94 = tpu.memref_slice %arg15[%dma_wait3A_92, %dma_wait3A_93] : memref<64x128xf32, #tpu.memory_space<vmem>> -> memref<40x128xf32, #tpu.memory_space<vmem>>
          tpu.wait_dma2 semaphore(%run_scoped3A : memref<!tpu.dma_semaphore, #tpu.memory_space<semaphore_mem>>) src(%dma_wait3A_94 : memref<40x128xf32, #tpu.memory_space<vmem>>) dst(%dma_wait3A_91 : memref<40x128xf32, #tpu.memory_space<vmem_shared>>)
          tpu.yield
        }) : () -> ()
        %scan3A_76 = arith.constant 0 : i32
        scf.yield %scan3A_76 : i32
      }
      %scan3A_71 = arith.constant 2 : i32
    } else {
    }
    %barrier3A_44 = arith.constant 0 : index
    tpu.barrier barrier_id(%barrier3A_44)
    %scan3A_45 = arith.constant 0 : i32
    %scan3A_46 = arith.constant 0 : i32
    %scan3A_47 = arith.constant 5 : i32
    %scan3A_48 = arith.addi %scan3A_46, %scan3A_47 : i32
    %scan3A_49 = arith.constant 1 : i32
    %scan3A_50 = scf.for %scan3A_58 = %scan3A_46 to %scan3A_48 step %scan3A_49 iter_args(%scan3A_59 = %scan3A_45) -> (i32)  : i32 {
      %iota3A = tpu.iota {dimensions = array<i32: 0>} : vector<16xi32>
      %mul3A_60 = arith.constant 16 : i32
      %mul3A_61 = arith.muli %scan3A_58, %mul3A_60 : i32
      %add3A_62 = vector.broadcast %mul3A_61 : i32 to vector<16xi32>
      %add3A_63 = arith.addi %iota3A, %add3A_62 : vector<16xi32>
      %swap3A = arith.constant 0 : index
      %swap3A_64 = tpu.vector_load %arg11[%swap3A] {strides = array<i32>} : memref<16xi32, #tpu.memory_space<vmem>>, vector<16xi32>,
      tpu.vector_store %arg11[%swap3A], %add3A_63 {strides = array<i32>} : memref<16xi32, #tpu.memory_space<vmem>>, vector<16xi32>,
      %mul3A_65 = arith.constant 16 : i32
      %mul3A_66 = arith.muli %scan3A_58, %mul3A_65 : i32
      "tpu.region"() ({
        %run_scoped3A = tpu.sem_alloc : memref<!tpu.dma_semaphore, #tpu.memory_space<semaphore_mem>>
        %dma_start3A = arith.constant 0 : i32
        %dma_start3A_68 = tpu.memref_slice %arg16[%mul3A_66, %dma_start3A] : memref<80x128xf32, #tpu.memory_space<vmem>> -> memref<16x128xf32, #tpu.memory_space<vmem>>
        %dma_start3A_69 = arith.constant 0 : i32
        %dma_start3A_70 = arith.constant 0 : i32
        %dma_start3A_71 = tpu.memref_slice %arg17[%dma_start3A_69, %dma_start3A_70] : memref<10240x128xf32, #tpu.memory_space<vmem_shared>> -> memref<10240x128xf32, #tpu.memory_space<vmem_shared>>
        tpu.enqueue_indirect_dma source(%dma_start3A_68 : memref<16x128xf32, #tpu.memory_space<vmem>>) target(%dma_start3A_71 : memref<10240x128xf32, #tpu.memory_space<vmem_shared>>) offsets(%arg11 : memref<16xi32, #tpu.memory_space<vmem>>) semaphore(%run_scoped3A : memref<!tpu.dma_semaphore, #tpu.memory_space<semaphore_mem>>) {add = true}
        %dma_wait3A = arith.constant 0 : i32
        %dma_wait3A_72 = tpu.memref_slice %arg16[%mul3A_66, %dma_wait3A] : memref<80x128xf32, #tpu.memory_space<vmem>> -> memref<16x128xf32, #tpu.memory_space<vmem>>
        %dma_wait3A_73 = arith.constant 0 : i32
        %dma_wait3A_74 = arith.constant 0 : i32
        %dma_wait3A_75 = tpu.memref_slice %arg17[%dma_wait3A_73, %dma_wait3A_74] : memref<10240x128xf32, #tpu.memory_space<vmem_shared>> -> memref<10240x128xf32, #tpu.memory_space<vmem_shared>>
        tpu.wait_indirect_dma semaphore(%run_scoped3A : memref<!tpu.dma_semaphore, #tpu.memory_space<semaphore_mem>>) src(%dma_wait3A_72 : memref<16x128xf32, #tpu.memory_space<vmem>>) dst(%dma_wait3A_75 : memref<10240x128xf32, #tpu.memory_space<vmem_shared>>)
        tpu.yield
      }) : () -> ()
      %scan3A_67 = arith.constant 0 : i32
      scf.yield %scan3A_67 : i32
    }
    %scan3A_51 = arith.constant 5 : i32
    %barrier3A_52 = arith.constant 0 : index
    tpu.barrier barrier_id(%barrier3A_52)
    %eq3A_53 = arith.constant 0 : i32
    %eq3A_54 = arith.cmpi eq, %arg1, %eq3A_53 : i32
    %convert_element_type3A_55 = arith.extui %eq3A_54 : i1 to i32
    %cond3A_56 = arith.constant 0 : i32
    %cond3A_57 = arith.cmpi ne, %convert_element_type3A_55, %cond3A_56 : i32
    scf.if %cond3A_57 {
      %scan3A_58 = arith.constant 0 : i32
      %scan3A_59 = arith.constant 0 : i32
      %scan3A_60 = arith.constant 2 : i32
      %scan3A_61 = arith.addi %scan3A_59, %scan3A_60 : i32
      %scan3A_62 = arith.constant 1 : i32
      %scan3A_63 = scf.for %scan3A_65 = %scan3A_59 to %scan3A_61 step %scan3A_62 iter_args(%scan3A_66 = %scan3A_58) -> (i32)  : i32 {
        %mul3A_67 = arith.constant 40 : i32
        %mul3A_68 = arith.muli %scan3A_65, %mul3A_67 : i32
        "tpu.region"() ({
          %run_scoped3A = tpu.sem_alloc : memref<!tpu.dma_semaphore, #tpu.memory_space<semaphore_mem>>
          %dma_start3A = arith.constant 0 : i32
          %dma_start3A_70 = arith.constant 0 : i32
          %dma_start3A_71 = tpu.memref_slice %arg15[%dma_start3A, %dma_start3A_70] : memref<64x128xf32, #tpu.memory_space<vmem>> -> memref<40x128xf32, #tpu.memory_space<vmem>>
          %dma_start3A_72 = arith.constant 0 : i32
          %dma_start3A_73 = tpu.memref_slice %arg17[%mul3A_68, %dma_start3A_72] : memref<10240x128xf32, #tpu.memory_space<vmem_shared>> -> memref<40x128xf32, #tpu.memory_space<vmem_shared>>
          %dma_start3A_74 = arith.constant 0 : i32
          %dma_start3A_75 = arith.constant 0 : i32
          %dma_start3A_76 = tpu.memref_slice %arg15[%dma_start3A_74, %dma_start3A_75] : memref<64x128xf32, #tpu.memory_space<vmem>> -> memref<40x128xf32, #tpu.memory_space<vmem>>
          %dma_start3A_77 = arith.constant 0 : i32
          %dma_start3A_78 = tpu.memref_slice %arg17[%mul3A_68, %dma_start3A_77] : memref<10240x128xf32, #tpu.memory_space<vmem_shared>> -> memref<40x128xf32, #tpu.memory_space<vmem_shared>>
          tpu.enqueue_dma source(%dma_start3A_78 : memref<40x128xf32, #tpu.memory_space<vmem_shared>>) target(%dma_start3A_76 : memref<40x128xf32, #tpu.memory_space<vmem>>) target_semaphore(%run_scoped3A : memref<!tpu.dma_semaphore, #tpu.memory_space<semaphore_mem>>)
          %dma_wait3A = arith.constant 0 : i32
          %dma_wait3A_79 = arith.constant 0 : i32
          %dma_wait3A_80 = tpu.memref_slice %arg15[%dma_wait3A, %dma_wait3A_79] : memref<64x128xf32, #tpu.memory_space<vmem>> -> memref<40x128xf32, #tpu.memory_space<vmem>>
          %dma_wait3A_81 = arith.constant 0 : i32
          %dma_wait3A_82 = tpu.memref_slice %arg17[%mul3A_68, %dma_wait3A_81] : memref<10240x128xf32, #tpu.memory_space<vmem_shared>> -> memref<40x128xf32, #tpu.memory_space<vmem_shared>>
          %dma_wait3A_83 = arith.constant 0 : i32
          %dma_wait3A_84 = arith.constant 0 : i32
          %dma_wait3A_85 = tpu.memref_slice %arg15[%dma_wait3A_83, %dma_wait3A_84] : memref<64x128xf32, #tpu.memory_space<vmem>> -> memref<40x128xf32, #tpu.memory_space<vmem>>
          %dma_wait3A_86 = arith.constant 0 : i32
          %dma_wait3A_87 = tpu.memref_slice %arg17[%mul3A_68, %dma_wait3A_86] : memref<10240x128xf32, #tpu.memory_space<vmem_shared>> -> memref<40x128xf32, #tpu.memory_space<vmem_shared>>
          tpu.wait_dma2 semaphore(%run_scoped3A : memref<!tpu.dma_semaphore, #tpu.memory_space<semaphore_mem>>) src(%dma_wait3A_87 : memref<40x128xf32, #tpu.memory_space<vmem_shared>>) dst(%dma_wait3A_85 : memref<40x128xf32, #tpu.memory_space<vmem>>)
          tpu.yield
        }) : () -> ()
        "tpu.region"() ({
          %run_scoped3A = tpu.sem_alloc : memref<!tpu.dma_semaphore, #tpu.memory_space<semaphore_mem>>
          %dma_start3A = arith.constant 0 : i32
          %dma_start3A_70 = arith.constant 0 : i32
          %dma_start3A_71 = tpu.memref_slice %arg15[%dma_start3A, %dma_start3A_70] : memref<64x128xf32, #tpu.memory_space<vmem>> -> memref<40x128xf32, #tpu.memory_space<vmem>>
          %dma_start3A_72 = arith.constant 0 : i32
          %dma_start3A_73 = tpu.memref_slice %arg8[%arg0, %mul3A_68, %dma_start3A_72] : memref<2x80x128xf32, #tpu.memory_space<hbm>> -> memref<1x40x128xf32, #tpu.memory_space<hbm>>
          %dma_start3A_74 = tpu.memref_squeeze %dma_start3A_73 : memref<1x40x128xf32, #tpu.memory_space<hbm>> -> memref<40x128xf32, #tpu.memory_space<hbm>>
          %dma_start3A_75 = arith.constant 0 : i32
          %dma_start3A_76 = tpu.memref_slice %arg8[%arg0, %mul3A_68, %dma_start3A_75] : memref<2x80x128xf32, #tpu.memory_space<hbm>> -> memref<1x40x128xf32, #tpu.memory_space<hbm>>
          %dma_start3A_77 = tpu.memref_squeeze %dma_start3A_76 : memref<1x40x128xf32, #tpu.memory_space<hbm>> -> memref<40x128xf32, #tpu.memory_space<hbm>>
          %dma_start3A_78 = arith.constant 0 : i32
          %dma_start3A_79 = arith.constant 0 : i32
          %dma_start3A_80 = tpu.memref_slice %arg15[%dma_start3A_78, %dma_start3A_79] : memref<64x128xf32, #tpu.memory_space<vmem>> -> memref<40x128xf32, #tpu.memory_space<vmem>>
          tpu.enqueue_dma source(%dma_start3A_80 : memref<40x128xf32, #tpu.memory_space<vmem>>) target(%dma_start3A_77 : memref<40x128xf32, #tpu.memory_space<hbm>>) target_semaphore(%run_scoped3A : memref<!tpu.dma_semaphore, #tpu.memory_space<semaphore_mem>>)
          %dma_wait3A = arith.constant 0 : i32
          %dma_wait3A_81 = arith.constant 0 : i32
          %dma_wait3A_82 = tpu.memref_slice %arg15[%dma_wait3A, %dma_wait3A_81] : memref<64x128xf32, #tpu.memory_space<vmem>> -> memref<40x128xf32, #tpu.memory_space<vmem>>
          %dma_wait3A_83 = arith.constant 0 : i32
          %dma_wait3A_84 = tpu.memref_slice %arg8[%arg0, %mul3A_68, %dma_wait3A_83] : memref<2x80x128xf32, #tpu.memory_space<hbm>> -> memref<1x40x128xf32, #tpu.memory_space<hbm>>
          %dma_wait3A_85 = tpu.memref_squeeze %dma_wait3A_84 : memref<1x40x128xf32, #tpu.memory_space<hbm>> -> memref<40x128xf32, #tpu.memory_space<hbm>>
          %dma_wait3A_86 = arith.constant 0 : i32
          %dma_wait3A_87 = tpu.memref_slice %arg8[%arg0, %mul3A_68, %dma_wait3A_86] : memref<2x80x128xf32, #tpu.memory_space<hbm>> -> memref<1x40x128xf32, #tpu.memory_space<hbm>>
          %dma_wait3A_88 = tpu.memref_squeeze %dma_wait3A_87 : memref<1x40x128xf32, #tpu.memory_space<hbm>> -> memref<40x128xf32, #tpu.memory_space<hbm>>
          %dma_wait3A_89 = arith.constant 0 : i32
          %dma_wait3A_90 = arith.constant 0 : i32
          %dma_wait3A_91 = tpu.memref_slice %arg15[%dma_wait3A_89, %dma_wait3A_90] : memref<64x128xf32, #tpu.memory_space<vmem>> -> memref<40x128xf32, #tpu.memory_space<vmem>>
          tpu.wait_dma2 semaphore(%run_scoped3A : memref<!tpu.dma_semaphore, #tpu.memory_space<semaphore_mem>>) src(%dma_wait3A_91 : memref<40x128xf32, #tpu.memory_space<vmem>>) dst(%dma_wait3A_88 : memref<40x128xf32, #tpu.memory_space<hbm>>)
          tpu.yield
        }) : () -> ()
        %scan3A_69 = arith.constant 0 : i32
        scf.yield %scan3A_69 : i32
      }
      %scan3A_64 = arith.constant 2 : i32
    } else {
    }
    return
  }
}

module attributes {stable_mosaic.version = 14 : i64} {
  func.func @_nodeproj_body(%arg0: i32, %arg1: memref<2048x128xf32, #tpu.memory_space<vmem>>, %arg2: memref<128x128xf32, #tpu.memory_space<vmem>>, %arg3: memref<128x128xf32, #tpu.memory_space<vmem>>, %arg4: memref<2048x128xf32, #tpu.memory_space<vmem>>, %arg5: memref<2048x128xf32, #tpu.memory_space<vmem>>) attributes {dimension_semantics = [#tpu.dimension_semantics<arbitrary>], iteration_bounds = array<i64: 5>, scalar_prefetch = 0 : i64, scratch_operands = 0 : i64, tpu.core_type = #tpu.core_type<tc>, window_params = [{transform_indices = @transform_0, window_bounds = array<i64: 2048, 128>}, {pipeline_mode = #tpu.pipeline_mode<synchronous>, transform_indices = @transform_1, window_bounds = array<i64: 128, 128>}, {pipeline_mode = #tpu.pipeline_mode<synchronous>, transform_indices = @transform_2, window_bounds = array<i64: 128, 128>}, {transform_indices = @transform_3, window_bounds = array<i64: 2048, 128>}, {transform_indices = @transform_4, window_bounds = array<i64: 2048, 128>}]} {
    %get3A = arith.constant 0 : index
    %get3A_0 = arith.constant 0 : index
    %get3A_1 = vector.load %arg1[%get3A, %get3A_0] : memref<2048x128xf32, #tpu.memory_space<vmem>>, vector<2048x128xf32>
    %get3A_2 = arith.constant 0 : index
    %get3A_3 = arith.constant 0 : index
    %get3A_4 = vector.load %arg2[%get3A_2, %get3A_3] : memref<128x128xf32, #tpu.memory_space<vmem>>, vector<128x128xf32>
    %dot_general3A = arith.constant dense<0.000000e+00> : vector<2048x128xf32>
    %dot_general3A_5 = tpu.matmul %get3A_1, %get3A_4, %dot_general3A {dimension_numbers = #tpu.dot_dimension_numbers<[1], [0], [0], [1], [0, 0, 1, 1], [], []>, precision = #tpu.contract_precision<fp32>, transpose_lhs_hint = false} : vector<2048x128xf32>, vector<128x128xf32>, vector<2048x128xf32> -> vector<2048x128xf32>
    %swap3A = arith.constant 0 : index
    %swap3A_6 = arith.constant 0 : index
    %swap3A_7 = vector.load %arg4[%swap3A, %swap3A_6] : memref<2048x128xf32, #tpu.memory_space<vmem>>, vector<2048x128xf32>
    tpu.vector_store %arg4[%swap3A, %swap3A_6], %dot_general3A_5 {strides = array<i32>} : memref<2048x128xf32, #tpu.memory_space<vmem>>, vector<2048x128xf32>,
    %get3A_8 = arith.constant 0 : index
    %get3A_9 = arith.constant 0 : index
    %get3A_10 = vector.load %arg3[%get3A_8, %get3A_9] : memref<128x128xf32, #tpu.memory_space<vmem>>, vector<128x128xf32>
    %dot_general3A_11 = arith.constant dense<0.000000e+00> : vector<2048x128xf32>
    %dot_general3A_12 = tpu.matmul %get3A_1, %get3A_10, %dot_general3A_11 {dimension_numbers = #tpu.dot_dimension_numbers<[1], [0], [0], [1], [0, 0, 1, 1], [], []>, precision = #tpu.contract_precision<fp32>, transpose_lhs_hint = false} : vector<2048x128xf32>, vector<128x128xf32>, vector<2048x128xf32> -> vector<2048x128xf32>
    %swap3A_13 = arith.constant 0 : index
    %swap3A_14 = arith.constant 0 : index
    %swap3A_15 = vector.load %arg5[%swap3A_13, %swap3A_14] : memref<2048x128xf32, #tpu.memory_space<vmem>>, vector<2048x128xf32>
    tpu.vector_store %arg5[%swap3A_13, %swap3A_14], %dot_general3A_12 {strides = array<i32>} : memref<2048x128xf32, #tpu.memory_space<vmem>>, vector<2048x128xf32>,
    return
  }
  func.func @transform_0(%arg0: i32) -> (i32, i32) {
    %c0_i32 = arith.constant 0 : i32
    %c0_i32_0 = arith.constant 0 : i32
    return %arg0, %c0_i32 : i32, i32
  }
  func.func @transform_1(%arg0: i32) -> (i32, i32) {
    %c0_i32 = arith.constant 0 : i32
    %c0_i32_0 = arith.constant 0 : i32
    %c0_i32_1 = arith.constant 0 : i32
    return %c0_i32, %c0_i32_0 : i32, i32
  }
  func.func @transform_2(%arg0: i32) -> (i32, i32) {
    %c0_i32 = arith.constant 0 : i32
    %c0_i32_0 = arith.constant 0 : i32
    %c0_i32_1 = arith.constant 0 : i32
    return %c0_i32, %c0_i32_0 : i32, i32
  }
  func.func @transform_3(%arg0: i32) -> (i32, i32) {
    %c0_i32 = arith.constant 0 : i32
    %c0_i32_0 = arith.constant 0 : i32
    return %arg0, %c0_i32 : i32, i32
  }
  func.func @transform_4(%arg0: i32) -> (i32, i32) {
    %c0_i32 = arith.constant 0 : i32
    %c0_i32_0 = arith.constant 0 : i32
    return %arg0, %c0_i32 : i32, i32
  }
}

module attributes {stable_mosaic.version = 14 : i64} {
  func.func @_edgeproj_body(%arg0: i32, %arg1: memref<2560x128xf32, #tpu.memory_space<vmem>>, %arg2: memref<128x128xf32, #tpu.memory_space<vmem>>, %arg3: memref<1x128xf32, #tpu.memory_space<vmem>>, %arg4: memref<2560x128xf32, #tpu.memory_space<vmem>>) attributes {dimension_semantics = [#tpu.dimension_semantics<arbitrary>], iteration_bounds = array<i64: 128>, scalar_prefetch = 0 : i64, scratch_operands = 0 : i64, tpu.core_type = #tpu.core_type<tc>, window_params = [{transform_indices = @transform_0, window_bounds = array<i64: 2560, 128>}, {pipeline_mode = #tpu.pipeline_mode<synchronous>, transform_indices = @transform_1, window_bounds = array<i64: 128, 128>}, {pipeline_mode = #tpu.pipeline_mode<synchronous>, transform_indices = @transform_2, window_bounds = array<i64: 1, 128>}, {transform_indices = @transform_3, window_bounds = array<i64: 2560, 128>}]} {
    %get3A = arith.constant 0 : index
    %get3A_0 = arith.constant 0 : index
    %get3A_1 = vector.load %arg1[%get3A, %get3A_0] : memref<2560x128xf32, #tpu.memory_space<vmem>>, vector<2560x128xf32>
    %get3A_2 = arith.constant 0 : index
    %get3A_3 = arith.constant 0 : index
    %get3A_4 = vector.load %arg2[%get3A_2, %get3A_3] : memref<128x128xf32, #tpu.memory_space<vmem>>, vector<128x128xf32>
    %dot_general3A = arith.constant dense<0.000000e+00> : vector<2560x128xf32>
    %dot_general3A_5 = tpu.matmul %get3A_1, %get3A_4, %dot_general3A {dimension_numbers = #tpu.dot_dimension_numbers<[1], [0], [0], [1], [0, 0, 1, 1], [], []>, precision = #tpu.contract_precision<fp32>, transpose_lhs_hint = false} : vector<2560x128xf32>, vector<128x128xf32>, vector<2560x128xf32> -> vector<2560x128xf32>
    %get3A_6 = arith.constant 0 : index
    %get3A_7 = arith.constant 0 : index
    %get3A_8 = vector.load %arg3[%get3A_6, %get3A_7] : memref<1x128xf32, #tpu.memory_space<vmem>>, vector<1x128xf32>
    %add3A = vector.broadcast %get3A_8 : vector<1x128xf32> to vector<2560x128xf32>
    %add3A_9 = arith.addf %dot_general3A_5, %add3A : vector<2560x128xf32>
    %swap3A = arith.constant 0 : index
    %swap3A_10 = arith.constant 0 : index
    %swap3A_11 = vector.load %arg4[%swap3A, %swap3A_10] : memref<2560x128xf32, #tpu.memory_space<vmem>>, vector<2560x128xf32>
    tpu.vector_store %arg4[%swap3A, %swap3A_10], %add3A_9 {strides = array<i32>} : memref<2560x128xf32, #tpu.memory_space<vmem>>, vector<2560x128xf32>,
    return
  }
  func.func @transform_0(%arg0: i32) -> (i32, i32) {
    %min3A = arith.constant 124 : i32
    %min3A_0 = arith.minsi %arg0, %min3A : i32
    %c0_i32 = arith.constant 0 : i32
    %c0_i32_1 = arith.constant 0 : i32
    return %min3A_0, %c0_i32 : i32, i32
  }
  func.func @transform_1(%arg0: i32) -> (i32, i32) {
    %c0_i32 = arith.constant 0 : i32
    %c0_i32_0 = arith.constant 0 : i32
    %c0_i32_1 = arith.constant 0 : i32
    return %c0_i32, %c0_i32_0 : i32, i32
  }
  func.func @transform_2(%arg0: i32) -> (i32, i32) {
    %c0_i32 = arith.constant 0 : i32
    %c0_i32_0 = arith.constant 0 : i32
    %c0_i32_1 = arith.constant 0 : i32
    return %c0_i32, %c0_i32_0 : i32, i32
  }
  func.func @transform_3(%arg0: i32) -> (i32, i32) {
    %c0_i32 = arith.constant 0 : i32
    %c0_i32_0 = arith.constant 0 : i32
    return %arg0, %c0_i32 : i32, i32
  }
}

module attributes {stable_mosaic.version = 14 : i64} {
  func.func @_update_body(%arg0: memref<10000x128xf32, #tpu.memory_space<vmem>>, %arg1: memref<2x10240x128xf32, #tpu.memory_space<vmem>>, %arg2: memref<2x80x128xf32, #tpu.memory_space<vmem>>, %arg3: memref<128x128xf32, #tpu.memory_space<vmem>>, %arg4: memref<1x128xf32, #tpu.memory_space<vmem>>, %arg5: memref<128x128xf32, #tpu.memory_space<vmem>>, %arg6: memref<128x128xf32, #tpu.memory_space<vmem>>, %arg7: memref<1x128xf32, #tpu.memory_space<vmem>>, %arg8: memref<128x128xf32, #tpu.memory_space<vmem>>, %arg9: memref<1x128xf32, #tpu.memory_space<vmem>>, %arg10: memref<10000x128xf32, #tpu.memory_space<vmem>>) attributes {dimension_semantics = [], scalar_prefetch = 0 : i64, scratch_operands = 0 : i64, tpu.core_type = #tpu.core_type<tc>} {
    %get3A = arith.constant 0 : index
    %get3A_0 = arith.constant 0 : index
    %get3A_1 = arith.constant 0 : index
    %get3A_2 = vector.load %arg1[%get3A, %get3A_0, %get3A_1] : memref<2x10240x128xf32, #tpu.memory_space<vmem>>, vector<1x10000x128xf32>
    %get3A_3 = vector.shape_cast %get3A_2 : vector<1x10000x128xf32> to vector<10000x128xf32>
    %get3A_4 = arith.constant 1 : index
    %get3A_5 = arith.constant 0 : index
    %get3A_6 = arith.constant 0 : index
    %get3A_7 = vector.load %arg1[%get3A_4, %get3A_5, %get3A_6] : memref<2x10240x128xf32, #tpu.memory_space<vmem>>, vector<1x10000x128xf32>
    %get3A_8 = vector.shape_cast %get3A_7 : vector<1x10000x128xf32> to vector<10000x128xf32>
    %add3A = arith.addf %get3A_3, %get3A_8 : vector<10000x128xf32>
    %get3A_9 = arith.constant 0 : index
    %get3A_10 = arith.constant 0 : index
    %get3A_11 = arith.constant 0 : index
    %get3A_12 = vector.load %arg2[%get3A_9, %get3A_10, %get3A_11] : memref<2x80x128xf32, #tpu.memory_space<vmem>>, vector<1x80x128xf32>
    %get3A_13 = vector.shape_cast %get3A_12 : vector<1x80x128xf32> to vector<80x128xf32>
    %get3A_14 = arith.constant 1 : index
    %get3A_15 = arith.constant 0 : index
    %get3A_16 = arith.constant 0 : index
    %get3A_17 = vector.load %arg2[%get3A_14, %get3A_15, %get3A_16] : memref<2x80x128xf32, #tpu.memory_space<vmem>>, vector<1x80x128xf32>
    %get3A_18 = vector.shape_cast %get3A_17 : vector<1x80x128xf32> to vector<80x128xf32>
    %add3A_19 = arith.addf %get3A_13, %get3A_18 : vector<80x128xf32>
    %iota3A = tpu.iota {dimensions = array<i32: 0>} : vector<10000x80xi32>
    %shift_right_logical3A = arith.constant 7 : i32
    %shift_right_logical3A_20 = vector.broadcast %shift_right_logical3A : i32 to vector<10000x80xi32>
    %shift_right_logical3A_21 = arith.shrui %iota3A, %shift_right_logical3A_20 : vector<10000x80xi32>
    %iota3A_22 = tpu.iota {dimensions = array<i32: 1>} : vector<10000x80xi32>
    %eq3A = arith.cmpi eq, %shift_right_logical3A_21, %iota3A_22 : vector<10000x80xi32>
    %convert_element_type3A = arith.extui %eq3A : vector<10000x80xi1> to vector<10000x80xi32>
    %convert_element_type3A_23 = arith.sitofp %convert_element_type3A : vector<10000x80xi32> to vector<10000x80xf32>
    %dot_general3A = arith.constant dense<0.000000e+00> : vector<10000x128xf32>
    %dot_general3A_24 = tpu.matmul %convert_element_type3A_23, %add3A_19, %dot_general3A {dimension_numbers = #tpu.dot_dimension_numbers<[1], [0], [0], [1], [0, 0, 1, 1], [], []>, precision = #tpu.contract_precision<fp32>, transpose_lhs_hint = false} : vector<10000x80xf32>, vector<80x128xf32>, vector<10000x128xf32> -> vector<10000x128xf32>
    %iota3A_25 = tpu.iota {dimensions = array<i32: 0>} : vector<10000x128xi32>
    %and3A = arith.constant 127 : i32
    %and3A_26 = vector.broadcast %and3A : i32 to vector<10000x128xi32>
    %and3A_27 = arith.andi %iota3A_25, %and3A_26 : vector<10000x128xi32>
    %iota3A_28 = tpu.iota {dimensions = array<i32: 1>} : vector<10000x128xi32>
    %eq3A_29 = arith.cmpi eq, %and3A_27, %iota3A_28 : vector<10000x128xi32>
    %jit3A = arith.constant 0.000000e+00 : f32
    %broadcast_in_dim3A = vector.broadcast %jit3A : f32 to vector<10000x128xf32>
    %select_n3A = arith.select %eq3A_29, %dot_general3A_24, %broadcast_in_dim3A : vector<10000x128xi1>, vector<10000x128xf32>
    %reduce_sum3A = arith.constant dense<0.000000e+00> : vector<10000xf32>
    %reduce_sum3A_30 = vector.multi_reduction <add>, %select_n3A, %reduce_sum3A [1] : vector<10000x128xf32> to vector<10000xf32>
    %broadcast_in_dim3A_31 = vector.shape_cast %reduce_sum3A_30 : vector<10000xf32> to vector<10000x1xf32>
    %get3A_32 = arith.constant 0 : index
    %get3A_33 = arith.constant 0 : index
    %get3A_34 = vector.load %arg3[%get3A_32, %get3A_33] : memref<128x128xf32, #tpu.memory_space<vmem>>, vector<128x128xf32>
    %dot_general3A_35 = arith.constant dense<0.000000e+00> : vector<10000x128xf32>
    %dot_general3A_36 = tpu.matmul %add3A, %get3A_34, %dot_general3A_35 {dimension_numbers = #tpu.dot_dimension_numbers<[1], [0], [0], [1], [0, 0, 1, 1], [], []>, precision = #tpu.contract_precision<fp32>, transpose_lhs_hint = false} : vector<10000x128xf32>, vector<128x128xf32>, vector<10000x128xf32> -> vector<10000x128xf32>
    %get3A_37 = arith.constant 0 : index
    %get3A_38 = arith.constant 0 : index
    %get3A_39 = vector.load %arg4[%get3A_37, %get3A_38] : memref<1x128xf32, #tpu.memory_space<vmem>>, vector<1x128xf32>
    %mul3A = vector.broadcast %broadcast_in_dim3A_31 : vector<10000x1xf32> to vector<10000x128xf32>
    %mul3A_40 = vector.broadcast %get3A_39 : vector<1x128xf32> to vector<10000x128xf32>
    %mul3A_41 = arith.mulf %mul3A, %mul3A_40 : vector<10000x128xf32>
    %add3A_42 = arith.addf %dot_general3A_36, %mul3A_41 : vector<10000x128xf32>
    %max3A = arith.constant 1.000000e+00 : f32
    %max3A_43 = vector.broadcast %max3A : f32 to vector<10000x1xf32>
    %max3A_44 = arith.maximumf %broadcast_in_dim3A_31, %max3A_43 : vector<10000x1xf32>
    %div3A = vector.broadcast %max3A_44 : vector<10000x1xf32> to vector<10000x128xf32>
    %div3A_45 = arith.divf %add3A_42, %div3A : vector<10000x128xf32>
    %get3A_46 = arith.constant 0 : index
    %get3A_47 = arith.constant 0 : index
    %get3A_48 = vector.load %arg0[%get3A_46, %get3A_47] : memref<10000x128xf32, #tpu.memory_space<vmem>>, vector<10000x128xf32>
    %get3A_49 = arith.constant 0 : index
    %get3A_50 = arith.constant 0 : index
    %get3A_51 = vector.load %arg5[%get3A_49, %get3A_50] : memref<128x128xf32, #tpu.memory_space<vmem>>, vector<128x128xf32>
    %dot_general3A_52 = arith.constant dense<0.000000e+00> : vector<10000x128xf32>
    %dot_general3A_53 = tpu.matmul %get3A_48, %get3A_51, %dot_general3A_52 {dimension_numbers = #tpu.dot_dimension_numbers<[1], [0], [0], [1], [0, 0, 1, 1], [], []>, precision = #tpu.contract_precision<fp32>, transpose_lhs_hint = false} : vector<10000x128xf32>, vector<128x128xf32>, vector<10000x128xf32> -> vector<10000x128xf32>
    %get3A_54 = arith.constant 0 : index
    %get3A_55 = arith.constant 0 : index
    %get3A_56 = vector.load %arg6[%get3A_54, %get3A_55] : memref<128x128xf32, #tpu.memory_space<vmem>>, vector<128x128xf32>
    %dot_general3A_57 = arith.constant dense<0.000000e+00> : vector<10000x128xf32>
    %dot_general3A_58 = tpu.matmul %div3A_45, %get3A_56, %dot_general3A_57 {dimension_numbers = #tpu.dot_dimension_numbers<[1], [0], [0], [1], [0, 0, 1, 1], [], []>, precision = #tpu.contract_precision<fp32>, transpose_lhs_hint = false} : vector<10000x128xf32>, vector<128x128xf32>, vector<10000x128xf32> -> vector<10000x128xf32>
    %add3A_59 = arith.addf %dot_general3A_53, %dot_general3A_58 : vector<10000x128xf32>
    %get3A_60 = arith.constant 0 : index
    %get3A_61 = arith.constant 0 : index
    %get3A_62 = vector.load %arg7[%get3A_60, %get3A_61] : memref<1x128xf32, #tpu.memory_space<vmem>>, vector<1x128xf32>
    %add3A_63 = vector.broadcast %get3A_62 : vector<1x128xf32> to vector<10000x128xf32>
    %add3A_64 = arith.addf %add3A_59, %add3A_63 : vector<10000x128xf32>
    %max3A_65 = arith.constant 0.000000e+00 : f32
    %max3A_66 = vector.broadcast %max3A_65 : f32 to vector<10000x128xf32>
    %max3A_67 = arith.maximumf %add3A_64, %max3A_66 : vector<10000x128xf32>
    %get3A_68 = arith.constant 0 : index
    %get3A_69 = arith.constant 0 : index
    %get3A_70 = vector.load %arg8[%get3A_68, %get3A_69] : memref<128x128xf32, #tpu.memory_space<vmem>>, vector<128x128xf32>
    %dot_general3A_71 = arith.constant dense<0.000000e+00> : vector<10000x128xf32>
    %dot_general3A_72 = tpu.matmul %max3A_67, %get3A_70, %dot_general3A_71 {dimension_numbers = #tpu.dot_dimension_numbers<[1], [0], [0], [1], [0, 0, 1, 1], [], []>, precision = #tpu.contract_precision<fp32>, transpose_lhs_hint = false} : vector<10000x128xf32>, vector<128x128xf32>, vector<10000x128xf32> -> vector<10000x128xf32>
    %get3A_73 = arith.constant 0 : index
    %get3A_74 = arith.constant 0 : index
    %get3A_75 = vector.load %arg9[%get3A_73, %get3A_74] : memref<1x128xf32, #tpu.memory_space<vmem>>, vector<1x128xf32>
    %add3A_76 = vector.broadcast %get3A_75 : vector<1x128xf32> to vector<10000x128xf32>
    %add3A_77 = arith.addf %dot_general3A_72, %add3A_76 : vector<10000x128xf32>
    %swap3A = arith.constant 0 : index
    %swap3A_78 = arith.constant 0 : index
    %swap3A_79 = vector.load %arg10[%swap3A, %swap3A_78] : memref<10000x128xf32, #tpu.memory_space<vmem>>, vector<10000x128xf32>
    tpu.vector_store %arg10[%swap3A, %swap3A_78], %add3A_77 {strides = array<i32>} : memref<10000x128xf32, #tpu.memory_space<vmem>>, vector<10000x128xf32>,
    return
  }
}

</mosaic_0001>

<sc_bundles>
// kernel: kernel.6.cloned.1.call-start
scs
__scs_entry_jumppad:
0x0: {  	(pc) =	sbr.rel $0x88, $3  }
0x1: {  	(tag) =	ssettag $0x0;
	lr =	simm.s32 $0x1  }
0x2: {  	[smem:$0x3F96] =	sst lr;
	_ =	strace $0xD0000000  }
0x3: {  	_ = 	snop  }
0x4: {  	_ = 	snop  }
0x5: {  	_ = 	snop  }
0x6: {  	_ = 	snop  }
0x7: {  	_ = 	snop  }
__scs_overlays_trampoline_lowered:
0x8: {  	[smem:$0x3FA5] =	sst s0  }
0x9: {  	[smem:$0x3FA6] =	sst s1  }
0xa: {  	[smem:$0x3FA7] =	sst s2  }
0xb: {  	[smem:$0x3FA8] =	sst s3  }
0xc: {  	[smem:$0x3FA9] =	sst s4  }
0xd: {  	[smem:$0x3FAA] =	sst s5  }
0xe: {  	[smem:$0x3FAB] =	sst s6  }
0xf: {  	[smem:$0x3FAC] =	sst s7  }
0x10: {  	[smem:$0x3FAD] =	sst s8  }
0x11: {  	[smem:$0x3FAE] =	sst s9;
	s0 =	simm.s32 @!p0 $0x0  }
0x12: {  	s1 =	sld [smem:$0x3F94];
	s0 =	simm.s32 @p0 $0x1  }
0x13: {  	[smem:$0x3FAF] =	sst s0;
	s0 =	simm.s32 @!p1 $0x0  }
0x14: {  	s2 =	sld [smem:$0x3F93];
	s0 =	simm.s32 @p1 $0x1  }
0x15: {  	[smem:$0x3FB0] =	sst s0;
	s0 =	simm.s32 @!p2 $0x0  }
0x16: {  	s3 =	sld [smem:$0x3FDB];
	s0 =	simm.s32 @p2 $0x1  }
0x17: {  	s4 =	simm.s32 $0x1BF5;
	[smem:$0x3FB2] =	sst s0  }
0x18: {  	s0 =	sld [smem:$0x3F95];
	_ =	swait.ge [sflag:s4], $0x0  }
0x19: {  	s7 =	sld [smem:$0x3F96]  }
0x1a: {  	s8 =	sadd.s32 $0xFFFFE003, lr  }
0x1b: {  	s9 =	sadd.s32 $0xFFFFFEF7, lr;
	s5 =	simm.s32 $0xFFFFFFFF;
	p2 =	slt.u32 s8, $0xFFFFF086  }
0x1c: {  	p1 =	slt.u32 s9, $0xF7A;
	s5 =	simm.s32 @!p2 $0x0  }
0x1d: {  	s5 =	simm.s32 @p1 $0x1;
	p0 =	seq.s32 s7, s2  }
0x1e: {  	s7 =	smul.u32 @!p0 $0xF7A, s2;
	p2 =	seq.s32 @!p0 s5, $0x0  }
0x1f: {  	s9 =	smul.u32 $0xF7A, s1;
	s8 =	simm.s32 @!p0 $0x1BF5;
	p2 =	por !p2, p0  }
0x20: {  	[sflag:s8] =	ssyncset.s32 @!p0 $0xFFFFF086;
	s6 =	sadd.s32 @!p0 s3, s7;
	s7 =	simm.s32 @!p0 $0x108  }
0x21: {  	s3 =	sadd.s32 s3, s9;
	s6 =	sadd.s32 @!p0 $0x88, s6;
	s7 =	simm.s32 @p2 $0x1082  }
0x22: {  	[simem:s7], [sflag:s8] =	dma.local @!p0 [hbm:s6], $0xF7A  }
0x23: {  	s9 =	sor.u32 $0xD0000000, s2;
	s6 =	simm.s32 $0x108;
	_ =	swait.ge @!p0 [sflag:s8], $0x0  }
0x24: {  	s3 =	sadd.s32 $0x88, s3;
	s6 =	simm.s32 @!p1 $0x1082;
	[sflag:s4] =	ssyncset.s32 $0xFFFFF086  }
0x25: {  	[simem:s6], [sflag:s4] =	dma.local [hbm:s3], $0xF7A  }
0x26: {  	[smem:$0x3F96] =	sst s1;
	(tag) =	ssettag s2;
	_ =	strace s9  }
0x27: {  	s1 =	sld [smem:$0x3FA6]  }
0x28: {  	s2 =	sld [smem:$0x3FA7]  }
0x29: {  	s4 =	sld [smem:$0x3FA9]  }
0x2a: {  	p0 =	seq.s32 s5, $0x0;
	s5 =	sld [smem:$0x3FAA]  }
0x2b: {  	s6 =	sld [smem:$0x3FAB]  }
0x2c: {  	s7 =	sld [smem:$0x3FAC]  }
0x2d: {  	s3 =	simm.s32 $0x108;
	s8 =	sld [smem:$0x3FAD]  }
0x2e: {  	s3 =	simm.s32 @!p0 $0x1082;
	s9 =	sld [smem:$0x3FAE]  }
0x2f: {  	lr =	sadd.s32 s0, s3;
	s0 =	sld [smem:$0x3FA5]  }
0x30: {  	s3 =	sld [smem:$0x3FA8]  }
0x31: {  	[smem:$0x3FB1] =	sst s10  }
0x32: {  	s10 =	sld [smem:$0x3FAF];
	_ =	sdelay $0x3  }
0x33: {  	p0 =	seq.s32 s10, $0x1;
	s10 =	sld [smem:$0x3FB1];
	_ =	sdelay $0x3  }
0x34: {  	[smem:$0x3FB1] =	sst s10  }
0x35: {  	s10 =	sld [smem:$0x3FB0];
	_ =	sdelay $0x3  }
0x36: {  	p1 =	seq.s32 s10, $0x1;
	s10 =	sld [smem:$0x3FB1];
	_ =	sdelay $0x3  }
0x37: {  	[smem:$0x3FB1] =	sst s10  }
0x38: {  	s10 =	sld [smem:$0x3FB2]  }
0x39: {  	_ = 	snop;
	(pc) =	sbr.ind lr, $3  }
0x3a: {  	_ = 	snop  }
0x3b: {  	_ = 	snop  }
0x3c: {  	p2 =	seq.s32 s10, $0x1;
	s10 =	sld [smem:$0x3FB1]  }
0x3d: {  	_ =	shalt  }
0x3e: {  	_ =	shalt  }
0x3f: {  	_ =	shalt  }
0x40: {  	_ =	shalt  }
0x41: {  	_ =	shalt  }
0x42: {  	_ =	shalt  }
0x43: {  	_ =	shalt  }
0x44: {  	_ =	shalt  }
0x45: {  	_ =	shalt  }
0x46: {  	_ =	shalt  }
0x47: {  	_ =	shalt  }
0x48: {  	_ =	shalt  }
0x49: {  	_ =	shalt  }
0x4a: {  	_ =	shalt  }
0x4b: {  	_ =	shalt  }
0x4c: {  	_ =	shalt  }
0x4d: {  	_ =	shalt  }
0x4e: {  	_ =	shalt  }
0x4f: {  	_ =	shalt  }
0x50: {  	_ =	shalt  }
0x51: {  	_ =	shalt  }
0x52: {  	_ =	shalt  }
0x53: {  	_ =	shalt  }
0x54: {  	_ =	shalt  }
0x55: {  	_ =	shalt  }
0x56: {  	_ =	shalt  }
0x57: {  	_ =	shalt  }
0x58: {  	_ =	shalt  }
0x59: {  	_ =	shalt  }
0x5a: {  	_ =	shalt  }
0x5b: {  	_ =	shalt  }
0x5c: {  	_ =	shalt  }
0x5d: {  	_ =	shalt  }
0x5e: {  	_ =	shalt  }
0x5f: {  	_ =	shalt  }
0x60: {  	_ =	shalt  }
0x61: {  	_ =	shalt  }
0x62: {  	_ =	shalt  }
0x63: {  	_ =	shalt  }
0x64: {  	_ =	shalt  }
0x65: {  	_ =	shalt  }
0x66: {  	_ =	shalt  }
0x67: {  	_ =	shalt  }
0x68: {  	_ =	shalt  }
0x69: {  	_ =	shalt  }
0x6a: {  	_ =	shalt  }
0x6b: {  	_ =	shalt  }
0x6c: {  	_ =	shalt  }
0x6d: {  	_ =	shalt  }
0x6e: {  	_ =	shalt  }
0x6f: {  	_ =	shalt  }
0x70: {  	_ =	shalt  }
0x71: {  	_ =	shalt  }
0x72: {  	_ =	shalt  }
0x73: {  	_ =	shalt  }
0x74: {  	_ =	shalt  }
0x75: {  	_ =	shalt  }
0x76: {  	_ =	shalt  }
0x77: {  	_ =	shalt  }
0x78: {  	_ =	shalt  }
0x79: {  	_ =	shalt  }
0x7a: {  	_ =	shalt  }
0x7b: {  	_ =	shalt  }
0x7c: {  	_ =	shalt  }
0x7d: {  	_ =	shalt  }
0x7e: {  	_ =	shalt  }
0x7f: {  	_ =	shalt  }
0x80: {  	_ =	shalt  }
0x81: {  	_ =	shalt  }
0x82: {  	_ =	shalt  }
0x83: {  	_ =	shalt  }
0x84: {  	_ =	shalt  }
0x85: {  	_ =	shalt  }
0x86: {  	_ =	shalt  }
0x87: {  	_ =	shalt  }
.Lfunc_end0:
.L_simem_size_0:
called_computation_lowered:
.L_overlay_start_0:
0x88: {  	s2 =	sld [smem:$0x3FD9]  }
0x89: {  	s3 =	sld [smem:$0x3FFE];
	_ =	sdelay $0x1  }
0x8a: {  	s1 =	srdreg.scid  }
0x8b: {  	s0 =	sand.u32 $0x1, s1  }
0x8c: {  	s17 =	sshll.u32 s0, $0xA;
	s2 =	sadd.s32 s3, s2  }
0x8d: {  	s2 =	sadd.s32 s2, s17  }
0x8e: {  	[smem:$0x3FBD] =	sst s2  }
0x8f: {  	_ = 	snop  }
0x90: {  	s2 =	sld [smem:$0x3FD0];
	(tm) =	ssettm $0x1  }
0x91: {  	s18 =	sld [smem:$0x3FFB];
	_ =	sdelay $0x3  }
0x92: {  	_ =	strace s18  }
0x93: {  	s3 =	sld [smem:$0x3FFC];
	_ =	sdelay $0x3  }
0x94: {  	_ =	strace s3  }
0x95: {  	s3 =	sld [smem:$0x3FFD];
	_ =	sdelay $0x3  }
0x96: {  	_ =	strace s3  }
0x97: {  	_ =	strace $0x8FFFFFFF  }
0x98: {  	s19 =	sld [smem:$0x3FDB];
	_ =	sdelay $0x1  }
0x99: {  	s4 =	simm.s32 $_scs_section_size  }
0x9a: {  	s5 =	simm.s32 $_size__tile_overlayer_lowered;
	s6 =	simm.s32 $_tile_overlayer_lowered  }
0x9b: {  	s22 =	simm.s32 $0x1BFF;
	s21 =	sshll.u32 s6, $0x1;
	s3 =	sadd.s32 s4, s19  }
0x9c: {  	s7 =	simm.s32 $0x0;
	s20 =	sshll.u32 s5, $0x1;
	s5 =	sadd.s32 s21, s3  }
0x9d: {  	[timem:s7], [sflag:s22] =	dma.local [hbm:s5], s20  }
0x9e: {  	_ =	swait.ge [sflag:s22], s20  }
0x9f: {  	s4 =	ssub.s32 $0x0, s20;
	[sflag:s22] =	ssyncset.done $0x0  }
0xa0: {  	[sflag:s22] =	ssyncadd.s32 s4;
	_ =	sdelay $0x1  }
0xa1: {  	s23 =	simm.s32 $0x1B8B  }
0xa2: {  	_ =	swait.ge [sflag:s23], $0x1  }
0xa3: {  	[sflag:s23] =	ssyncset.done $0x0  }
0xa4: {  	s25 =	simm.s32 $0x1B8E;
	s24 =	sld [smem:$0x3FFE];
	[sflag:s23] =	ssyncadd.s32 $0xFFFFFFFF  }
0xa5: {  	s26 =	simm.s32 $execute0_lowered;
	[smem:$0x3FD2] =	sst s25  }
0xa6: {  	s5 =	sshll.u32 s26, $0x1;
	_ =	strace $0x80000046;
	[dreg:$0x1] =	wrdreg $0xFFFFFFFF  }
0xa7: {  	s28 =	simm.s32 $_size_execute0_lowered;
	s3 =	sadd.s32 s3, s5;
	[dreg:$0x0] =	wrdreg $0x0  }
0xa8: {  	s5 =	sshll.u32 s28, $0x1;
	[dreg:$0x2] =	wrdreg s3  }
0xa9: {  	[dreg:$0x3] =	wrdreg s5  }
0xaa: {  	[dreg:$0x4] =	wrdreg $0xC0  }
0xab: {  	_ =	task [dreg:s7], $0x5FFFF  }
0xac: {  	[dreg:$0x1] =	wrdreg $0xFFFFFFFF  }
0xad: {  	[dreg:$0x0] =	wrdreg $0x60  }
0xae: {  	[dreg:$0x2] =	wrdreg s2  }
0xaf: {  	[dreg:$0x3] =	wrdreg s24  }
0xb0: {  	[dreg:$0x4] =	wrdreg $0xA9800  }
0xb1: {  	[dreg:$0x5] =	wrdreg $0x9  }
0xb2: {  	_ =	task.clear_ibuf [dreg:s7], $0x6FFFF;
	_ =	strace $0x90000046  }
0xb3: {  	s29 =	simm.s32 $0x9;
	_ =	strace $0x80000048  }
0xb4: {  	_ =	swait.ge [sflag:s29], $0x1  }
0xb5: {  	[sflag:s29] =	ssyncadd.s32 $0xFFFFFFFF  }
0xb6: {  	_ =	strace $0x90000048  }
0xb7: {  	_ =	sfence  }
0xb8: {  	s30 =	sld [smem:$0x0];
	_ =	sdelay $0x2  }
0xb9: {  	s31 =	sshll.u32 s1, $0xD;
	s1 =	sshrl.u32 s1, $0x2  }
0xba: {  	s3 =	sand.u32 $0x4000, s31;
	s1 =	sadd.s32 s1, s30  }
0xbb: {  	s0 =	sor.u32 s3, s0;
	s1 =	sshll.u32 s1, $0x11  }
0xbc: {  	s0 =	sor.u32 s1, s0  }
0xbd: {  	s0 =	sadd.s32 $0x8F2B, s0  }
0xbe: {  	[sflag:s0] =	ssyncadd.remote.s32 $0x1  }
0xbf: {  	_ =	sfence.sel $0xFFFF  }
0xc0: {  	[dreg:$0x0] =	wrdreg $0xFFFFFFFF;
	(pc) =	sbr.abs _section_cstart, $3  }
0xc1: {  	[dreg:$0x1] =	wrdreg $0xFFFFFFFF  }
0xc2: {  	_ =	task.clear_ibuf [dreg:s7], $0x2FFFF;
	_ =	strace $0x9FFFFFFF  }
0xc3: {  	(tm) =	ssettm $0x7FFFFFFF  }
tec
execute0_lowered:
.L_overlay_start_1:
0x0: {  	(tag) =	ssettag $0x1  }
0x1: {  	s0 =	srdreg.scid  }
0x2: {  	s3 =	stileid.u32;
	s6 =	rddreg [dreg:$0x1];
	s1 =	simm.s32 $0x0  }
0x3: {  	s28 =	simm.s32 $0x8180;
	s2 =	sand.u32 $0x1, s0;
	s0 =	rddreg [dreg:$0x0]  }
0x4: {  	s5 =	smul.u32 $0x14000, s3;
	s9 =	sadd.s32 $0x55C000, s6;
	[smem:$0x7FF] =	sst s1  }
0x5: {  	s4 =	smul.u32 $0x140000, s2;
	s7 =	ssub.s32 $0x2, s2;
	s18 =	sshll.u32 s2, $0x4  }
0x6: {  	s2 =	smul.u32 $0x2800, s2;
	s10 =	sshrl.u32 s7, $0x1;
	s11 =	sadd.s32 $0x4000, s5  }
0x7: {  	s12 =	sadd.s32 $0x6000, s5;
	s8 =	sadd.s32 s4, s5;
	s7 =	ssub.s32 s7, s10  }
0x8: {  	s13 =	sadd.s32 s4, s11;
	s14 =	sadd.s32 s4, s12;
	s2 =	sshrl.u32 s2, $0x3  }
0x9: {  	s8 =	sshrl.u32 s8, $0x3;
	s20 =	sshrl.u32 s13, $0x3;
	s21 =	sshrl.u32 s14, $0x3  }
0xa: {  	s2 =	sadd.s32 s2, s6;
	s8 =	sadd.s32 s9, s8;
	s22 =	sadd.s32 s9, s21  }
0xb: {  	s21 =	sadd.s32 $0xC000, s5;
	[dreg:$0x4] =	wrdreg s8;
	s8 =	sor.u32 $0x2000, s5  }
0xc: {  	[dreg:$0x7] =	wrdreg s22;
	s15 =	sadd.s32 s4, s21;
	s19 =	sadd.s32 s4, s8  }
0xd: {  	s22 =	sadd.s32 $0xE000, s5;
	s26 =	sshrl.u32 s15, $0x3;
	s10 =	sshrl.u32 s19, $0x3  }
0xe: {  	s15 =	sadd.s32 s4, s22;
	s14 =	sadd.s32 s9, s26;
	s10 =	sadd.s32 s9, s10  }
0xf: {  	[dreg:$0x5] =	wrdreg s10;
	s10 =	sadd.s32 s9, s20;
	s20 =	sadd.s32 $0xA000, s5  }
0x10: {  	[dreg:$0x6] =	wrdreg s10;
	s10 =	sadd.s32 $0x8000, s5;
	s24 =	sadd.s32 s4, s20  }
0x11: {  	[dreg:$0xa] =	wrdreg s14;
	s23 =	sadd.s32 s4, s10;
	s25 =	sshrl.u32 s24, $0x3  }
0x12: {  	s13 =	sshrl.u32 s23, $0x3;
	s23 =	sadd.s32 $0x10000, s5;
	s5 =	sadd.s32 $0x12000, s5  }
0x13: {  	s13 =	sadd.s32 s9, s13;
	s16 =	sadd.s32 s4, s23;
	s4 =	sadd.s32 s4, s5  }
0x14: {  	[dreg:$0x8] =	wrdreg s13;
	s13 =	sadd.s32 s9, s25;
	s4 =	sshrl.u32 s4, $0x3  }
0x15: {  	[dreg:$0x9] =	wrdreg s13;
	s13 =	sshrl.u32 s15, $0x3;
	s4 =	sadd.s32 s9, s4  }
0x16: {  	s17 =	sshrl.u32 s16, $0x3;
	s13 =	sadd.s32 s9, s13;
	[dreg:$0xd] =	wrdreg s4  }
0x17: {  	s14 =	sadd.s32 $0x2000, s6;
	[dreg:$0xb] =	wrdreg s13;
	s13 =	sadd.s32 s9, s17  }
0x18: {  	s16 =	sadd.s32 $0x34000, s6;
	s25 =	smax.u32 s7, $0x1;
	[dreg:$0xc] =	wrdreg s13  }
0x19: {  	s15 =	sadd.s32 $0xC000, s6;
	s4 =	sor.u32 s3, s18;
	s13 =	rddreg [dreg:$0x2]  }
0x1a: {  	_ =	strace $0x80000047;
	[dreg:$0xe] =	wrdreg s25;
	s26 =	sadd.s32 s8, s13  }
0x1b: {  	s18 =	smul.u32 $0x2800, s4;
	s4 =	sadd.s32 s11, s13;
	[dreg:$0xf] =	wrdreg s26  }
0x1c: {  	s17 =	sadd.s32 $0x5C000, s6;
	s6 =	sadd.s32 s12, s13;
	[dreg:$0x10] =	wrdreg s4  }
0x1d: {  	s29 =	simm.s32 $0x1;
	s7 =	sadd.s32 s10, s13;
	[dreg:$0x11] =	wrdreg s6  }
0x1e: {  	s30 =	simm.s32 $0x2;
	s8 =	sadd.s32 s20, s13;
	[dreg:$0x12] =	wrdreg s7  }
0x1f: {  	s31 =	simm.s32 $0x3;
	s9 =	sadd.s32 s21, s13;
	[dreg:$0x13] =	wrdreg s8  }
0x20: {  	p1 =	seq.s32 s3, $0x0;
	s10 =	sadd.s32 s22, s13;
	[dreg:$0x14] =	wrdreg s9  }
0x21: {  	s19 =	smul.u32 $0x50000, s3;
	s11 =	sadd.s32 s23, s13;
	[dreg:$0x15] =	wrdreg s10  }
0x22: {  	p0 =	sne.s32 s3, $0x0;
	s12 =	sadd.s32 s5, s13;
	[dreg:$0x16] =	wrdreg s11  }
0x23: {  	s24 =	sshrl.u32 s19, $0x2;
	s20 =	sadd.s32 $0x5AC000, s2;
	[dreg:$0x17] =	wrdreg s12  }
0x24: {  	s19 =	sadd.s32 s24, s13;
	s2 =	sadd.s32 $0x5AC280, s2;
	[dreg:$0x18] =	wrdreg s20  }
0x25: {  	[dreg:$0x19] =	wrdreg s2;
	s21 =	sadd.s32 $0x2000, s19;
	s22 =	sadd.s32 $0x4000, s19  }
0x26: {  	s23 =	sadd.s32 $0x6000, s19;
	s24 =	sadd.s32 $0x8000, s19;
	[dreg:$0x1a] =	wrdreg s21  }
0x27: {  	s25 =	sadd.s32 $0xA000, s19;
	s26 =	sadd.s32 $0xC000, s19;
	[dreg:$0x1b] =	wrdreg s22  }
0x28: {  	s8 =	sadd.s32 $0xE000, s19;
	s9 =	sadd.s32 $0x10000, s19;
	[dreg:$0x1c] =	wrdreg s23  }
.Ltmp0:
0x29: {  	s10 =	sadd.s32 $0x12000, s19;
	[dreg:$0x1d] =	wrdreg s24;
	(pc) =	sbr.rel .LBB2_1-.Ltmp0, $4  }
0x2a: {  	s11 =	sadd.s32 $0x1400, s13;
	s20 =	simm.s32 $0x6180;
	[dreg:$0x1e] =	wrdreg s25  }
0x2b: {  	v0 =	vlaneseq.u32;
	s12 =	simm.s32 $0x10;
	s2 =	simm.s32 $0x100;
	[dreg:$0x1f] =	wrdreg s26  }
0x2c: {  	v1 =	vimm.f32 $0.0e+00;
	v2 =	vimm.f32 $1.000000000e+00;
	v3 =	vor.u32 $0x10, v0;
	s21 =	simm.s32 $0x4;
	s22 =	simm.s32 $0x80;
	s23 =	simm.s32 $0x40  }
0x2d: {  	v4 =	vor.u32 $0x20, v0;
	v5 =	vor.u32 $0x30, v0;
	v6 =	vor.u32 $0x40, v0;
	s24 =	simm.s32 $0x180;
	s25 =	simm.s32 $0x2180;
	s26 =	simm.s32 $0x4180  }
.LBB2_13:
0x2e: {  	[bflag:$0x0] =	sbarrier.arrive $0xFFFF  }
0x2f: {  	[tilespmem:$0x100] =	vst v0  }
0x30: {  	[spmem:s13] =	stream.indirect.scatter.add.f32 [tilespmem:s28], [sflag:$0x4], $0x80, s2, s12, $0xb8;
	[tilespmem:$0x1E980] =	vst v63  }
0x31: {  	_ =	swait.ge [sflag:s21], $0x800  }
0x32: {  	[sflag:s21] =	ssyncset.done $0x0  }
0x33: {  	[sflag:s21] =	ssyncadd.s32 $0xFFFFF800  }
0x34: {  	s3 =	simm.s32 $0x8980;
	[tilespmem:$0x100] =	vst v3  }
0x35: {  	[spmem:s13] =	stream.indirect.scatter.add.f32 [tilespmem:s3], [sflag:$0x4], $0x80, s2, s12, $0xb8;
	[tilespmem:$0x1E980] =	vst v63  }
0x36: {  	_ =	swait.ge [sflag:s21], $0x800  }
0x37: {  	[sflag:s21] =	ssyncset.done $0x0  }
0x38: {  	[sflag:s21] =	ssyncadd.s32 $0xFFFFF800  }
0x39: {  	s4 =	simm.s32 $0x9180;
	[tilespmem:$0x100] =	vst v4  }
0x3a: {  	[spmem:s13] =	stream.indirect.scatter.add.f32 [tilespmem:s4], [sflag:$0x4], $0x80, s2, s12, $0xb8;
	[tilespmem:$0x1E980] =	vst v63  }
0x3b: {  	_ =	swait.ge [sflag:s21], $0x800  }
0x3c: {  	[sflag:s21] =	ssyncset.done $0x0  }
0x3d: {  	[sflag:s21] =	ssyncadd.s32 $0xFFFFF800  }
0x3e: {  	s5 =	simm.s32 $0x9980;
	[tilespmem:$0x100] =	vst v5  }
0x3f: {  	[spmem:s13] =	stream.indirect.scatter.add.f32 [tilespmem:s5], [sflag:$0x4], $0x80, s2, s12, $0xb8;
	[tilespmem:$0x1E980] =	vst v63  }
0x40: {  	_ =	swait.ge [sflag:s21], $0x800  }
0x41: {  	[sflag:s21] =	ssyncset.done $0x0  }
0x42: {  	[sflag:s21] =	ssyncadd.s32 $0xFFFFF800  }
0x43: {  	s6 =	simm.s32 $0xA180;
	[tilespmem:$0x100] =	vst v6  }
0x44: {  	[spmem:s13] =	stream.indirect.scatter.add.f32 [tilespmem:s6], [sflag:$0x4], $0x80, s2, s12, $0xb8;
	[tilespmem:$0x1E980] =	vst v63  }
0x45: {  	_ =	swait.ge [sflag:s21], $0x800  }
0x46: {  	[sflag:s21] =	ssyncset.done $0x0  }
0x47: {  	[sflag:s21] =	ssyncadd.s32 $0xFFFFF800  }
0x48: {  	s3 =	simm.s32 @!p0 $0x6180;
	s4 =	simm.s32 @!p0 $0x4;
	[bflag:$0x0] =	sbarrier.arrive $0xFFFF  }
0x49: {  	[tilespmem:s3], [sflag:$0x4] =	stream.linear.gather @!p0 [spmem:s13], $0x1400, $0x38;
	[tilespmem:$0x1E980] =	vst v63  }
0x4a: {  	_ =	swait.ge @!p0 [sflag:s4], $0x1400  }
0x4b: {  	[sflag:s4] =	ssyncset.done @!p0 $0x0  }
0x4c: {  	s5 =	simm.s32 @!p0 $0x0;
	s6 =	rddreg [dreg:$0x18];
	[sflag:s4] =	ssyncadd.s32 @!p0 $0xFFFFEC00  }
0x4d: {  	[hbm4b:s6+s5] =	stream.linear.scatter @!p0 [tilespmem:s3], [sflag:$0x4], $0x1400, $0x38;
	[tilespmem:$0x1E980] =	vst v63  }
0x4e: {  	_ =	swait.ge @!p0 [sflag:s4], $0x1400  }
0x4f: {  	[sflag:s4] =	ssyncset.done @!p0 $0x0  }
0x50: {  	[sflag:s4] =	ssyncadd.s32 @!p0 $0xFFFFEC00  }
0x51: {  	[tilespmem:s3], [sflag:$0x4] =	stream.linear.gather @!p0 [spmem:s11], $0x1400, $0x38;
	[tilespmem:$0x1E980] =	vst v63  }
0x52: {  	_ =	swait.ge @!p0 [sflag:s4], $0x1400  }
0x53: {  	[sflag:s4] =	ssyncset.done @!p0 $0x0  }
0x54: {  	s6 =	rddreg [dreg:$0x19];
	[sflag:s4] =	ssyncadd.s32 @!p0 $0xFFFFEC00  }
0x55: {  	[hbm4b:s6+s5] =	stream.linear.scatter @!p0 [tilespmem:s3], [sflag:$0x4], $0x1400, $0x38;
	[tilespmem:$0x1E980] =	vst v63  }
0x56: {  	_ =	swait.ge @!p0 [sflag:s4], $0x1400  }
0x57: {  	s1 =	sadd.s32 $0x1, s1;
	s7 =	rddreg [dreg:$0xe]  }
0x58: {  	p2 =	sne.s32 s1, s7  }
.Ltmp1:
0x59: {  	_ = 	snop;
	(pc) =	sbr.rel @!p2 .LBB2_14-.Ltmp1, $3  }
0x5a: {  	_ =	sdelay $0x1  }
0x5b: {  	[sflag:s4] =	ssyncset.done @!p0 $0x0  }
0x5c: {  	[sflag:s4] =	ssyncadd.s32 @!p0 $0xFFFFEC00  }
.LBB2_1:
0x5d: {  	s3 =	simm.s32 $0x0;
	s4 =	simm.s32 $0x200  }
.LBB2_2:
0x5e: {  	p2 =	sne.s32 s4, $0x7E00;
	[tilespmem:s3+$0x61F0] =	vst v1  }
0x5f: {  	[tilespmem:s3+$0x6180] =	vst v1  }
0x60: {  	[tilespmem:s3+$0x6190] =	vst v1  }
.Ltmp2:
0x61: {  	[tilespmem:s3+$0x61A0] =	vst v1;
	(pc) =	sbr.rel @p2 .LBB2_2-.Ltmp2, $4  }
0x62: {  	[tilespmem:s3+$0x61B0] =	vst v1  }
0x63: {  	[tilespmem:s3+$0x61C0] =	vst v1  }
0x64: {  	[tilespmem:s3+$0x61D0] =	vst v1  }
0x65: {  	[tilespmem:s3+$0x61E0] =	vst v1;
	s3 =	sshra.s32 s4, $0x2;
	s4 =	sadd.s32 $0x200, s4  }
0x66: {  	[tilespmem:s3+$0x61F0] =	vst v1  }
0x67: {  	[tilespmem:s3+$0x6180] =	vst v1  }
0x68: {  	[tilespmem:s3+$0x6190] =	vst v1  }
0x69: {  	[tilespmem:s3+$0x61A0] =	vst v1  }
0x6a: {  	[tilespmem:s3+$0x61B0] =	vst v1  }
0x6b: {  	[tilespmem:s3+$0x61C0] =	vst v1  }
0x6c: {  	[tilespmem:s3+$0x61D0] =	vst v1  }
0x6d: {  	[tilespmem:s3+$0x61E0] =	vst v1  }
0x6e: {  	[spmem:s19] =	stream.linear.scatter [tilespmem:s20], [sflag:$0x4], $0x2000, $0x38;
	[tilespmem:$0x1E980] =	vst v63  }
0x6f: {  	_ =	swait.ge [sflag:s21], $0x2000  }
0x70: {  	[sflag:s21] =	ssyncset.done $0x0  }
0x71: {  	s6 =	rddreg [dreg:$0x1a];
	[sflag:s21] =	ssyncadd.s32 $0xFFFFE000  }
0x72: {  	[spmem:s6] =	stream.linear.scatter [tilespmem:s20], [sflag:$0x4], $0x2000, $0x38;
	[tilespmem:$0x1E980] =	vst v63  }
0x73: {  	_ =	swait.ge [sflag:s21], $0x2000  }
0x74: {  	[sflag:s21] =	ssyncset.done $0x0  }
0x75: {  	s7 =	rddreg [dreg:$0x1b];
	[sflag:s21] =	ssyncadd.s32 $0xFFFFE000  }
0x76: {  	[spmem:s7] =	stream.linear.scatter [tilespmem:s20], [sflag:$0x4], $0x2000, $0x38;
	[tilespmem:$0x1E980] =	vst v63  }
0x77: {  	_ =	swait.ge [sflag:s21], $0x2000  }
0x78: {  	[sflag:s21] =	ssyncset.done $0x0  }
0x79: {  	s4 =	rddreg [dreg:$0x1c];
	[sflag:s21] =	ssyncadd.s32 $0xFFFFE000  }
0x7a: {  	[spmem:s4] =	stream.linear.scatter [tilespmem:s20], [sflag:$0x4], $0x2000, $0x38;
	[tilespmem:$0x1E980] =	vst v63  }
0x7b: {  	_ =	swait.ge [sflag:s21], $0x2000  }
0x7c: {  	[sflag:s21] =	ssyncset.done $0x0  }
0x7d: {  	s5 =	rddreg [dreg:$0x1d];
	[sflag:s21] =	ssyncadd.s32 $0xFFFFE000  }
0x7e: {  	[spmem:s5] =	stream.linear.scatter [tilespmem:s20], [sflag:$0x4], $0x2000, $0x38;
	[tilespmem:$0x1E980] =	vst v63  }
0x7f: {  	_ =	swait.ge [sflag:s21], $0x2000  }
0x80: {  	[sflag:s21] =	ssyncset.done $0x0  }
0x81: {  	s6 =	rddreg [dreg:$0x1e];
	[sflag:s21] =	ssyncadd.s32 $0xFFFFE000  }
0x82: {  	[spmem:s6] =	stream.linear.scatter [tilespmem:s20], [sflag:$0x4], $0x2000, $0x38;
	[tilespmem:$0x1E980] =	vst v63  }
0x83: {  	_ =	swait.ge [sflag:s21], $0x2000  }
0x84: {  	[sflag:s21] =	ssyncset.done $0x0  }
0x85: {  	s7 =	rddreg [dreg:$0x1f];
	[sflag:s21] =	ssyncadd.s32 $0xFFFFE000  }
0x86: {  	[spmem:s7] =	stream.linear.scatter [tilespmem:s20], [sflag:$0x4], $0x2000, $0x38;
	[tilespmem:$0x1E980] =	vst v63  }
0x87: {  	_ =	swait.ge [sflag:s21], $0x2000  }
0x88: {  	[sflag:s21] =	ssyncset.done $0x0  }
0x89: {  	[sflag:s21] =	ssyncadd.s32 $0xFFFFE000  }
0x8a: {  	[spmem:s8] =	stream.linear.scatter [tilespmem:s20], [sflag:$0x4], $0x2000, $0x38;
	[tilespmem:$0x1E980] =	vst v63  }
0x8b: {  	_ =	swait.ge [sflag:s21], $0x2000  }
0x8c: {  	[sflag:s21] =	ssyncset.done $0x0  }
0x8d: {  	[sflag:s21] =	ssyncadd.s32 $0xFFFFE000  }
0x8e: {  	[spmem:s9] =	stream.linear.scatter [tilespmem:s20], [sflag:$0x4], $0x2000, $0x38;
	[tilespmem:$0x1E980] =	vst v63  }
0x8f: {  	_ =	swait.ge [sflag:s21], $0x2000  }
0x90: {  	[sflag:s21] =	ssyncset.done $0x0  }
0x91: {  	[sflag:s21] =	ssyncadd.s32 $0xFFFFE000  }
0x92: {  	[spmem:s10] =	stream.linear.scatter [tilespmem:s20], [sflag:$0x4], $0x2000, $0x38;
	[tilespmem:$0x1E980] =	vst v63  }
0x93: {  	_ =	swait.ge [sflag:s21], $0x2000  }
0x94: {  	[sflag:s21] =	ssyncset.done $0x0  }
0x95: {  	s3 =	simm.s32 $0x0;
	s4 =	simm.s32 $0x200;
	[sflag:s21] =	ssyncadd.s32 $0xFFFFE000  }
.LBB2_4:
0x96: {  	p2 =	sne.s32 s4, $0x9E00;
	[tilespmem:s3+$0x81F0] =	vst v1  }
0x97: {  	[tilespmem:s3+$0x8180] =	vst v1  }
0x98: {  	[tilespmem:s3+$0x8190] =	vst v1  }
.Ltmp3:
0x99: {  	[tilespmem:s3+$0x81A0] =	vst v1;
	(pc) =	sbr.rel @p2 .LBB2_4-.Ltmp3, $4  }
0x9a: {  	[tilespmem:s3+$0x81B0] =	vst v1  }
0x9b: {  	[tilespmem:s3+$0x81C0] =	vst v1  }
0x9c: {  	[tilespmem:s3+$0x81D0] =	vst v1  }
0x9d: {  	[tilespmem:s3+$0x81E0] =	vst v1;
	s3 =	sshra.s32 s4, $0x2;
	s4 =	sadd.s32 $0x200, s4  }
0x9e: {  	[tilespmem:s3+$0x81F0] =	vst v1  }
0x9f: {  	[tilespmem:s3+$0x8180] =	vst v1  }
0xa0: {  	[tilespmem:s3+$0x8190] =	vst v1  }
0xa1: {  	[tilespmem:s3+$0x81A0] =	vst v1  }
0xa2: {  	[tilespmem:s3+$0x81B0] =	vst v1  }
0xa3: {  	[tilespmem:s3+$0x81C0] =	vst v1  }
0xa4: {  	[tilespmem:s3+$0x81D0] =	vst v1  }
0xa5: {  	[tilespmem:s3+$0x81E0] =	vst v1  }
0xa6: {  	s3 =	simm.s32 $0x0;
	s4 =	simm.s32 $0x0;
	[bflag:$0x0] =	sbarrier.arrive $0xFFFF  }
.LBB2_6:
0xa7: {  	s5 =	sshll.u32 s4, $0x6  }
0xa8: {  	s5 =	sadd.s32 s18, s5  }
0xa9: {  	s6 =	sshrl.u32 s5, $0x3  }
0xaa: {  	s7 =	sadd.s32 s0, s6  }
0xab: {  	[tilespmem:s3], [sflag:$0x4] =	stream.linear.gather [hbm4b:s7+s3], $0x40, $0x38;
	[tilespmem:$0x1E980] =	vst v63  }
0xac: {  	_ =	swait.ge [sflag:s21], $0x40  }
0xad: {  	[sflag:s21] =	ssyncset.done $0x0  }
0xae: {  	s6 =	sadd.s32 s14, s6;
	[sflag:s21] =	ssyncadd.s32 $0xFFFFFFC0  }
0xaf: {  	[tilespmem:s22], [sflag:$0x4] =	stream.linear.gather [hbm4b:s6+s3], $0x40, $0x38;
	[tilespmem:$0x1E980] =	vst v63  }
0xb0: {  	_ =	swait.ge [sflag:s21], $0x40  }
0xb1: {  	[sflag:s21] =	ssyncset.done $0x0  }
0xb2: {  	[sflag:s21] =	ssyncadd.s32 $0xFFFFFFC0  }
0xb3: {  	[tilespmem:s24], [sflag:$0x1] =	stream.indirect.gather [hbm4b:s15+s23], $0x80, s3, s23, $0xb8;
	[tilespmem:$0x1E980] =	vst v63  }
0xb4: {  	s5 =	sshll.u32 s5, $0x4  }
0xb5: {  	[tilespmem:s25], [sflag:$0x2] =	stream.indirect.gather [hbm4b:s16+s23], $0x80, s22, s23, $0xb8;
	[tilespmem:$0x1E980] =	vst v63  }
0xb6: {  	s5 =	sadd.s32 s17, s5  }
0xb7: {  	[tilespmem:s26], [sflag:$0x3] =	stream.linear.gather [hbm4b:s5+s3], $0x2000, $0x38;
	[tilespmem:$0x1E980] =	vst v63  }
0xb8: {  	v7 =	vld [tilespmem:$0x80];
	_ =	sdelay $0x7  }
0xb9: {  	[tilespmem:v7+s28+$0x0] =	vst.idx.add.f32.msk $0xffff, v2  }
0xba: {  	v7 =	vld [tilespmem:$0x90];
	_ =	sdelay $0x7  }
0xbb: {  	[tilespmem:v7+s28+$0x0] =	vst.idx.add.f32.msk $0xffff, v2  }
0xbc: {  	v7 =	vld [tilespmem:$0xA0];
	_ =	sdelay $0x7  }
0xbd: {  	[tilespmem:v7+s28+$0x0] =	vst.idx.add.f32.msk $0xffff, v2  }
0xbe: {  	v7 =	vld [tilespmem:$0xB0];
	_ =	sdelay $0x7  }
0xbf: {  	[tilespmem:v7+s28+$0x0] =	vst.idx.add.f32.msk $0xffff, v2  }
0xc0: {  	_ =	swait.ge [sflag:s29], $0x2000  }
0xc1: {  	[sflag:s29] =	ssyncset.done $0x0  }
0xc2: {  	[sflag:s29] =	ssyncadd.s32 $0xFFFFE000  }
0xc3: {  	_ =	swait.ge [sflag:s30], $0x2000  }
0xc4: {  	[sflag:s30] =	ssyncset.done $0x0  }
0xc5: {  	[sflag:s30] =	ssyncadd.s32 $0xFFFFE000  }
0xc6: {  	_ =	swait.ge [sflag:s31], $0x2000  }
0xc7: {  	[sflag:s31] =	ssyncset.done $0x0  }
0xc8: {  	s5 =	simm.s32 $0x0;
	[sflag:s31] =	ssyncadd.s32 $0xFFFFE000  }
0xc9: {  	v7 =	vld [tilespmem:s5+$0x1F0]  }
0xca: {  	v8 =	vld [tilespmem:s5+$0x21F0]  }
0xcb: {  	v9 =	vld [tilespmem:s5+$0x180]  }
0xcc: {  	v10 =	vld [tilespmem:s5+$0x41F0]  }
0xcd: {  	v11 =	vld [tilespmem:s5+$0x2180]  }
0xce: {  	v12 =	vld [tilespmem:s5+$0x190]  }
0xcf: {  	v13 =	vld [tilespmem:s5+$0x2190]  }
0xd0: {  	v14 =	vld [tilespmem:s5+$0x21A0]  }
0xd1: {  	v16 =	vld [tilespmem:s5+$0x21B0]  }
0xd2: {  	v17 =	vld [tilespmem:s5+$0x1C0]  }
0xd3: {  	v18 =	vld [tilespmem:s5+$0x1D0]  }
0xd4: {  	v19 =	vld [tilespmem:s5+$0x21D0]  }
0xd5: {  	v20 =	vld [tilespmem:s5+$0x1E0];
	v7 =	vadd.f32 v8, v7  }
0xd6: {  	v21 =	vld [tilespmem:s5+$0x21E0]  }
0xd7: {  	v22 =	vld [tilespmem:s5+$0x4180];
	v7 =	vadd.f32 v10, v7  }
0xd8: {  	v8 =	vld [tilespmem:s5+$0x1A0]  }
0xd9: {  	v10 =	vld [tilespmem:s5+$0x1B0];
	v7 =	vmax.f32 v7, $0.0e+00  }
0xda: {  	[tilespmem:s5+$0x61F0] =	vst v7;
	v7 =	vld [tilespmem:s5+$0x21C0]  }
0xdb: {  	v23 =	vld [tilespmem:s5+$0x4190]  }
0xdc: {  	v24 =	vld [tilespmem:s5+$0x41A0]  }
0xdd: {  	v15 =	vld [tilespmem:s5+$0x41B0];
	v9 =	vadd.f32 v11, v9;
	v25 =	vadd.f32 v13, v12  }
0xde: {  	v26 =	vadd.f32 v14, v8;
	v14 =	vld [tilespmem:s5+$0x41C0];
	v11 =	vadd.f32 v16, v10  }
0xdf: {  	v13 =	vld [tilespmem:s5+$0x41D0];
	v10 =	vadd.f32 v7, v17;
	v17 =	vadd.f32 v22, v9  }
0xe0: {  	s6 =	simm.s32 $0x80;
	v12 =	vld [tilespmem:s5+$0x41E0];
	v16 =	vadd.f32 v23, v25;
	v9 =	vadd.f32 v19, v18  }
0xe1: {  	s7 =	simm.s32 $0x400;
	v8 =	vld [tilespmem:s6+$0x1F0];
	v7 =	vadd.f32 v21, v20;
	v18 =	vmax.f32 v17, $0.0e+00;
	v17 =	vadd.f32 v24, v26  }
.LBB2_7:
0xe2: {  	p2 =	sne.s32 s7, $0x7E00;
	v19 =	vld [tilespmem:s6+$0x21F0];
	[tilespmem:s5+$0x6180] =	vst v18;
	v16 =	vmax.f32 v16, $0.0e+00;
	v11 =	vadd.f32 v15, v11  }
0xe3: {  	v15 =	vld [tilespmem:s6+$0x180];
	[tilespmem:s5+$0x6190] =	vst v16;
	v16 =	vmax.f32 v17, $0.0e+00;
	v10 =	vadd.f32 v14, v10  }
0xe4: {  	v14 =	vld [tilespmem:s6+$0x41F0];
	[tilespmem:s5+$0x61A0] =	vst v16;
	v11 =	vmax.f32 v11, $0.0e+00;
	v9 =	vadd.f32 v13, v9  }
0xe5: {  	v13 =	vld [tilespmem:s6+$0x2180];
	[tilespmem:s5+$0x61B0] =	vst v11;
	v10 =	vmax.f32 v10, $0.0e+00;
	v7 =	vadd.f32 v12, v7  }
0xe6: {  	v11 =	vld [tilespmem:s6+$0x190];
	[tilespmem:s5+$0x61C0] =	vst v10;
	v9 =	vmax.f32 v9, $0.0e+00  }
0xe7: {  	v10 =	vld [tilespmem:s6+$0x2190];
	v8 =	vadd.f32 v19, v8;
	[tilespmem:s5+$0x61D0] =	vst v9;
	v7 =	vmax.f32 v7, $0.0e+00  }
0xe8: {  	v9 =	vld [tilespmem:s6+$0x1A0];
	[tilespmem:s5+$0x61E0] =	vst v7;
	s5 =	smov.u32 s6  }
0xe9: {  	v7 =	vld [tilespmem:s5+$0x21A0];
	v8 =	vadd.f32 v14, v8  }
0xea: {  	v12 =	vadd.f32 v13, v15;
	v13 =	vld [tilespmem:s5+$0x1B0]  }
0xeb: {  	v14 =	vld [tilespmem:s5+$0x21B0];
	v8 =	vmax.f32 v8, $0.0e+00  }
0xec: {  	v16 =	vadd.f32 v10, v11;
	v10 =	vld [tilespmem:s5+$0x1C0];
	[tilespmem:s5+$0x61F0] =	vst v8  }
0xed: {  	v8 =	vld [tilespmem:s5+$0x21C0]  }
0xee: {  	v17 =	vadd.f32 v7, v9;
	v7 =	vld [tilespmem:s5+$0x1D0]  }
0xef: {  	v9 =	vld [tilespmem:s5+$0x21D0]  }
0xf0: {  	v11 =	vadd.f32 v14, v13;
	v13 =	vld [tilespmem:s5+$0x1E0]  }
0xf1: {  	v18 =	vld [tilespmem:s5+$0x21E0]  }
0xf2: {  	v19 =	vld [tilespmem:s5+$0x4180];
	v10 =	vadd.f32 v8, v10  }
0xf3: {  	v8 =	vld [tilespmem:s5+$0x4190]  }
0xf4: {  	v20 =	vld [tilespmem:s5+$0x41A0];
	v9 =	vadd.f32 v9, v7  }
.Ltmp4:
0xf5: {  	v15 =	vld [tilespmem:s5+$0x41B0];
	(pc) =	sbr.rel @p2 .LBB2_7-.Ltmp4, $4  }
0xf6: {  	v14 =	vld [tilespmem:s5+$0x41C0];
	v7 =	vadd.f32 v18, v13  }
0xf7: {  	v18 =	vadd.f32 v19, v12;
	v13 =	vld [tilespmem:s5+$0x41D0]  }
0xf8: {  	s6 =	sshra.s32 s7, $0x2;
	v16 =	vadd.f32 v8, v16;
	v12 =	vld [tilespmem:s5+$0x41E0]  }
0xf9: {  	s7 =	sadd.s32 $0x200, s7;
	v8 =	vld [tilespmem:s6+$0x1F0];
	v18 =	vmax.f32 v18, $0.0e+00;
	v17 =	vadd.f32 v20, v17  }
0xfa: {  	v19 =	vld [tilespmem:s6+$0x21F0];
	[tilespmem:s5+$0x6180] =	vst v18;
	v16 =	vmax.f32 v16, $0.0e+00;
	v11 =	vadd.f32 v15, v11  }
0xfb: {  	v18 =	vld [tilespmem:s6+$0x180];
	[tilespmem:s5+$0x6190] =	vst v16;
	v47 =	vmax.f32 v17, $0.0e+00;
	v10 =	vadd.f32 v14, v10  }
0xfc: {  	v16 =	vld [tilespmem:s6+$0x41F0];
	[tilespmem:s5+$0x61A0] =	vst v47;
	v11 =	vmax.f32 v11, $0.0e+00;
	v9 =	vadd.f32 v13, v9  }
0xfd: {  	v48 =	vld [tilespmem:s6+$0x2180];
	[tilespmem:s5+$0x61B0] =	vst v11;
	v10 =	vmax.f32 v10, $0.0e+00;
	v7 =	vadd.f32 v12, v7  }
0xfe: {  	v11 =	vld [tilespmem:s6+$0x190];
	[tilespmem:s5+$0x61C0] =	vst v10;
	v9 =	vmax.f32 v9, $0.0e+00  }
0xff: {  	v10 =	vld [tilespmem:s6+$0x2190];
	[tilespmem:s5+$0x61D0] =	vst v9;
	v7 =	vmax.f32 v7, $0.0e+00  }
0x100: {  	v9 =	vld [tilespmem:s6+$0x1A0];
	[tilespmem:s5+$0x61E0] =	vst v7  }
0x101: {  	v7 =	vld [tilespmem:s6+$0x21A0]  }
0x102: {  	v49 =	vld [tilespmem:s6+$0x1B0]  }
0x103: {  	v50 =	vld [tilespmem:s6+$0x21B0]  }
0x104: {  	v15 =	vld [tilespmem:s6+$0x1C0]  }
0x105: {  	v51 =	vld [tilespmem:s6+$0x1D0]  }
0x106: {  	v52 =	vld [tilespmem:s6+$0x21D0]  }
0x107: {  	v8 =	vadd.f32 v19, v8;
	v53 =	vld [tilespmem:s6+$0x1E0]  }
0x108: {  	v20 =	vld [tilespmem:s6+$0x21E0]  }
0x109: {  	v8 =	vadd.f32 v16, v8;
	v21 =	vld [tilespmem:s6+$0x4180]  }
0x10a: {  	v22 =	vld [tilespmem:s6+$0x4190]  }
0x10b: {  	v23 =	vld [tilespmem:s6+$0x41A0];
	v8 =	vmax.f32 v8, $0.0e+00  }
0x10c: {  	[tilespmem:s6+$0x61F0] =	vst v8;
	v8 =	vld [tilespmem:s6+$0x21C0]  }
0x10d: {  	v54 =	vld [tilespmem:s6+$0x41B0];
	v14 =	vadd.f32 v48, v18  }
0x10e: {  	v55 =	vld [tilespmem:s6+$0x41C0];
	v10 =	vadd.f32 v10, v11  }
0x10f: {  	v57 =	vld [tilespmem:s6+$0x41D0];
	v7 =	vadd.f32 v7, v9;
	v56 =	vadd.f32 v21, v14  }
0x110: {  	v58 =	vld [tilespmem:s6+$0x41E0];
	v12 =	vadd.f32 v50, v49;
	v10 =	vadd.f32 v22, v10  }
0x111: {  	v7 =	vadd.f32 v23, v7;
	v9 =	vmax.f32 v56, $0.0e+00;
	v8 =	vadd.f32 v8, v15  }
0x112: {  	v59 =	vadd.f32 v52, v51;
	v60 =	vmax.f32 v10, $0.0e+00;
	v61 =	vadd.f32 v54, v12;
	[tilespmem:s6+$0x6180] =	vst v9  }
0x113: {  	v62 =	vadd.f32 v20, v53;
	[tilespmem:s6+$0x6190] =	vst v60;
	v7 =	vmax.f32 v7, $0.0e+00;
	v8 =	vadd.f32 v55, v8  }
0x114: {  	v63 =	vadd.f32 v57, v59;
	[tilespmem:s6+$0x61A0] =	vst v7;
	v7 =	vmax.f32 v61, $0.0e+00  }
0x115: {  	[tilespmem:s6+$0x61B0] =	vst v7;
	v7 =	vmax.f32 v8, $0.0e+00;
	v8 =	vadd.f32 v58, v62  }
0x116: {  	s4 =	sadd.s32 $0x1, s4;
	[tilespmem:s6+$0x61C0] =	vst v7;
	v7 =	vmax.f32 v63, $0.0e+00  }
0x117: {  	p2 =	sne.s32 s4, $0xA0;
	[tilespmem:s6+$0x61D0] =	vst v7;
	v7 =	vmax.f32 v8, $0.0e+00  }
.Ltmp5:
0x118: {  	[tilespmem:s6+$0x61E0] =	vst v7;
	(pc) =	sbr.rel @p2 .LBB2_6-.Ltmp5, $4  }
0x119: {  	[spmem:s13] =	stream.indirect.scatter.add.f32 [tilespmem:s20], [sflag:$0x4], $0x80, s22, s23, $0xb8;
	[tilespmem:$0x1E980] =	vst v63  }
0x11a: {  	_ =	swait.ge [sflag:s21], $0x2000  }
0x11b: {  	[sflag:s21] =	ssyncset.done $0x0  }
0x11c: {  	[sflag:s21] =	ssyncadd.s32 $0xFFFFE000  }
0x11d: {  	[bflag:$0x0] =	sbarrier.arrive $0xFFFF  }
0x11e: {  	[tilespmem:s20], [sflag:$0x4] =	stream.linear.gather [spmem:s19], $0x2000, $0x38;
	[tilespmem:$0x1E980] =	vst v63  }
0x11f: {  	_ =	swait.ge [sflag:s21], $0x2000  }
0x120: {  	[sflag:s21] =	ssyncset.done $0x0  }
0x121: {  	s3 =	simm.s32 $0x0;
	s4 =	rddreg [dreg:$0x4];
	[sflag:s21] =	ssyncadd.s32 $0xFFFFE000  }
0x122: {  	[hbm4b:s4+s3] =	stream.linear.scatter [tilespmem:s20], [sflag:$0x4], $0x2000, $0x38;
	[tilespmem:$0x1E980] =	vst v63  }
0x123: {  	_ =	swait.ge [sflag:s21], $0x2000  }
0x124: {  	[sflag:s21] =	ssyncset.done $0x0  }
0x125: {  	s5 =	rddreg [dreg:$0xf];
	[sflag:s21] =	ssyncadd.s32 $0xFFFFE000  }
0x126: {  	[tilespmem:s20], [sflag:$0x4] =	stream.linear.gather [spmem:s5], $0x2000, $0x38;
	[tilespmem:$0x1E980] =	vst v63  }
0x127: {  	_ =	swait.ge [sflag:s21], $0x2000  }
0x128: {  	[sflag:s21] =	ssyncset.done $0x0  }
0x129: {  	s6 =	rddreg [dreg:$0x5];
	[sflag:s21] =	ssyncadd.s32 $0xFFFFE000  }
0x12a: {  	[hbm4b:s6+s3] =	stream.linear.scatter [tilespmem:s20], [sflag:$0x4], $0x2000, $0x38;
	[tilespmem:$0x1E980] =	vst v63  }
0x12b: {  	_ =	swait.ge [sflag:s21], $0x2000  }
0x12c: {  	[sflag:s21] =	ssyncset.done $0x0  }
0x12d: {  	s7 =	rddreg [dreg:$0x10];
	[sflag:s21] =	ssyncadd.s32 $0xFFFFE000  }
0x12e: {  	[tilespmem:s20], [sflag:$0x4] =	stream.linear.gather [spmem:s7], $0x2000, $0x38;
	[tilespmem:$0x1E980] =	vst v63  }
0x12f: {  	_ =	swait.ge [sflag:s21], $0x2000  }
0x130: {  	[sflag:s21] =	ssyncset.done $0x0  }
0x131: {  	s5 =	rddreg [dreg:$0x6];
	[sflag:s21] =	ssyncadd.s32 $0xFFFFE000  }
0x132: {  	[hbm4b:s5+s3] =	stream.linear.scatter [tilespmem:s20], [sflag:$0x4], $0x2000, $0x38;
	[tilespmem:$0x1E980] =	vst v63  }
0x133: {  	_ =	swait.ge [sflag:s21], $0x2000  }
0x134: {  	[sflag:s21] =	ssyncset.done $0x0  }
0x135: {  	s6 =	rddreg [dreg:$0x11];
	[sflag:s21] =	ssyncadd.s32 $0xFFFFE000  }
0x136: {  	[tilespmem:s20], [sflag:$0x4] =	stream.linear.gather [spmem:s6], $0x2000, $0x38;
	[tilespmem:$0x1E980] =	vst v63  }
0x137: {  	_ =	swait.ge [sflag:s21], $0x2000  }
0x138: {  	[sflag:s21] =	ssyncset.done $0x0  }
0x139: {  	s7 =	rddreg [dreg:$0x7];
	[sflag:s21] =	ssyncadd.s32 $0xFFFFE000  }
0x13a: {  	[hbm4b:s7+s3] =	stream.linear.scatter [tilespmem:s20], [sflag:$0x4], $0x2000, $0x38;
	[tilespmem:$0x1E980] =	vst v63  }
0x13b: {  	_ =	swait.ge [sflag:s21], $0x2000  }
0x13c: {  	[sflag:s21] =	ssyncset.done $0x0  }
0x13d: {  	s5 =	rddreg [dreg:$0x12];
	[sflag:s21] =	ssyncadd.s32 $0xFFFFE000  }
0x13e: {  	[tilespmem:s20], [sflag:$0x4] =	stream.linear.gather [spmem:s5], $0x2000, $0x38;
	[tilespmem:$0x1E980] =	vst v63  }
0x13f: {  	_ =	swait.ge [sflag:s21], $0x2000  }
0x140: {  	[sflag:s21] =	ssyncset.done $0x0  }
0x141: {  	s6 =	rddreg [dreg:$0x8];
	[sflag:s21] =	ssyncadd.s32 $0xFFFFE000  }
0x142: {  	[hbm4b:s6+s3] =	stream.linear.scatter [tilespmem:s20], [sflag:$0x4], $0x2000, $0x38;
	[tilespmem:$0x1E980] =	vst v63  }
0x143: {  	_ =	swait.ge [sflag:s21], $0x2000  }
0x144: {  	[sflag:s21] =	ssyncset.done $0x0  }
0x145: {  	s7 =	rddreg [dreg:$0x13];
	[sflag:s21] =	ssyncadd.s32 $0xFFFFE000  }
0x146: {  	[tilespmem:s20], [sflag:$0x4] =	stream.linear.gather [spmem:s7], $0x2000, $0x38;
	[tilespmem:$0x1E980] =	vst v63  }
0x147: {  	_ =	swait.ge [sflag:s21], $0x2000  }
0x148: {  	[sflag:s21] =	ssyncset.done $0x0  }
0x149: {  	s5 =	rddreg [dreg:$0x9];
	[sflag:s21] =	ssyncadd.s32 $0xFFFFE000  }
0x14a: {  	[hbm4b:s5+s3] =	stream.linear.scatter [tilespmem:s20], [sflag:$0x4], $0x2000, $0x38;
	[tilespmem:$0x1E980] =	vst v63  }
0x14b: {  	_ =	swait.ge [sflag:s21], $0x2000  }
0x14c: {  	[sflag:s21] =	ssyncset.done $0x0  }
0x14d: {  	s6 =	rddreg [dreg:$0x14];
	[sflag:s21] =	ssyncadd.s32 $0xFFFFE000  }
0x14e: {  	[tilespmem:s20], [sflag:$0x4] =	stream.linear.gather [spmem:s6], $0x2000, $0x38;
	[tilespmem:$0x1E980] =	vst v63  }
0x14f: {  	_ =	swait.ge [sflag:s21], $0x2000  }
0x150: {  	[sflag:s21] =	ssyncset.done $0x0  }
0x151: {  	s7 =	rddreg [dreg:$0xa];
	[sflag:s21] =	ssyncadd.s32 $0xFFFFE000  }
0x152: {  	[hbm4b:s7+s3] =	stream.linear.scatter [tilespmem:s20], [sflag:$0x4], $0x2000, $0x38;
	[tilespmem:$0x1E980] =	vst v63  }
0x153: {  	_ =	swait.ge [sflag:s21], $0x2000  }
0x154: {  	[sflag:s21] =	ssyncset.done $0x0  }
0x155: {  	s5 =	rddreg [dreg:$0x15];
	[sflag:s21] =	ssyncadd.s32 $0xFFFFE000  }
0x156: {  	[tilespmem:s20], [sflag:$0x4] =	stream.linear.gather [spmem:s5], $0x2000, $0x38;
	[tilespmem:$0x1E980] =	vst v63  }
0x157: {  	_ =	swait.ge [sflag:s21], $0x2000  }
0x158: {  	[sflag:s21] =	ssyncset.done $0x0  }
0x159: {  	s6 =	rddreg [dreg:$0xb];
	[sflag:s21] =	ssyncadd.s32 $0xFFFFE000  }
0x15a: {  	[hbm4b:s6+s3] =	stream.linear.scatter [tilespmem:s20], [sflag:$0x4], $0x2000, $0x38;
	[tilespmem:$0x1E980] =	vst v63  }
0x15b: {  	_ =	swait.ge [sflag:s21], $0x2000  }
0x15c: {  	[sflag:s21] =	ssyncset.done $0x0  }
0x15d: {  	s7 =	rddreg [dreg:$0x16];
	[sflag:s21] =	ssyncadd.s32 $0xFFFFE000  }
0x15e: {  	[tilespmem:s20], [sflag:$0x4] =	stream.linear.gather [spmem:s7], $0x2000, $0x38;
	[tilespmem:$0x1E980] =	vst v63  }
0x15f: {  	_ =	swait.ge [sflag:s21], $0x2000  }
0x160: {  	[sflag:s21] =	ssyncset.done $0x0  }
0x161: {  	s5 =	rddreg [dreg:$0xc];
	[sflag:s21] =	ssyncadd.s32 $0xFFFFE000  }
0x162: {  	[hbm4b:s5+s3] =	stream.linear.scatter [tilespmem:s20], [sflag:$0x4], $0x2000, $0x38;
	[tilespmem:$0x1E980] =	vst v63  }
0x163: {  	_ =	swait.ge [sflag:s21], $0x2000  }
0x164: {  	[sflag:s21] =	ssyncset.done $0x0  }
0x165: {  	s6 =	rddreg [dreg:$0x17];
	[sflag:s21] =	ssyncadd.s32 $0xFFFFE000  }
0x166: {  	[tilespmem:s20], [sflag:$0x4] =	stream.linear.gather [spmem:s6], $0x2000, $0x38;
	[tilespmem:$0x1E980] =	vst v63  }
0x167: {  	_ =	swait.ge [sflag:s21], $0x2000  }
0x168: {  	[sflag:s21] =	ssyncset.done $0x0  }
0x169: {  	s7 =	rddreg [dreg:$0xd];
	[sflag:s21] =	ssyncadd.s32 $0xFFFFE000  }
0x16a: {  	[hbm4b:s7+s3] =	stream.linear.scatter [tilespmem:s20], [sflag:$0x4], $0x2000, $0x38;
	[tilespmem:$0x1E980] =	vst v63  }
.Ltmp6:
0x16b: {  	_ =	swait.ge [sflag:s21], $0x2000;
	(pc) =	sbr.rel @!p1 .LBB2_13-.Ltmp6, $3  }
0x16c: {  	[sflag:s21] =	ssyncset.done $0x0  }
0x16d: {  	[sflag:s21] =	ssyncadd.s32 $0xFFFFE000  }
0x16e: {  	[bflag:$0x0] =	sbarrier.arrive $0xFFFF;
	_ =	sdelay $0x1  }
0x16f: {  	s4 =	sshra.s32 s3, $0x2;
	s3 =	sadd.s32 $0x200, s3  }
.LBB2_11:
0x170: {  	p2 =	seq.s32 s3, $0x7E00;
	[tilespmem:s4+$0x61F0] =	vst v1  }
0x171: {  	[tilespmem:s4+$0x6180] =	vst v1  }
0x172: {  	[tilespmem:s4+$0x6190] =	vst v1  }
.Ltmp7:
0x173: {  	[tilespmem:s4+$0x61A0] =	vst v1;
	(pc) =	sbr.rel @!p2 .LBB2_11-.Ltmp7, $4  }
0x174: {  	[tilespmem:s4+$0x61B0] =	vst v1  }
0x175: {  	[tilespmem:s4+$0x61C0] =	vst v1  }
0x176: {  	[tilespmem:s4+$0x61D0] =	vst v1  }
0x177: {  	[tilespmem:s4+$0x61E0] =	vst v1;
	s4 =	sshra.s32 s3, $0x2;
	s3 =	sadd.s32 $0x200, s3  }
0x178: {  	[tilespmem:s4+$0x61F0] =	vst v1  }
0x179: {  	[tilespmem:s4+$0x6180] =	vst v1  }
0x17a: {  	[tilespmem:s4+$0x6190] =	vst v1  }
0x17b: {  	[tilespmem:s4+$0x61A0] =	vst v1  }
0x17c: {  	[tilespmem:s4+$0x61B0] =	vst v1  }
0x17d: {  	[tilespmem:s4+$0x61C0] =	vst v1  }
0x17e: {  	[tilespmem:s4+$0x61D0] =	vst v1  }
0x17f: {  	[tilespmem:s4+$0x61E0] =	vst v1  }
0x180: {  	[spmem:s13] =	stream.linear.scatter [tilespmem:s20], [sflag:$0x4], $0x1400, $0x38;
	[tilespmem:$0x1E980] =	vst v63  }
0x181: {  	_ =	swait.ge [sflag:s21], $0x1400  }
0x182: {  	[sflag:s21] =	ssyncset.done $0x0  }
.Ltmp8:
0x183: {  	[sflag:s21] =	ssyncadd.s32 $0xFFFFEC00;
	(pc) =	sbr.rel .LBB2_13-.Ltmp8, $4  }
0x184: {  	[spmem:s11] =	stream.linear.scatter [tilespmem:s20], [sflag:$0x4], $0x1400, $0x38;
	[tilespmem:$0x1E980] =	vst v63  }
0x185: {  	_ =	swait.ge [sflag:s21], $0x1400  }
0x186: {  	[sflag:s21] =	ssyncset.done $0x0  }
0x187: {  	[sflag:s21] =	ssyncadd.s32 $0xFFFFEC00  }
.LBB2_14:
0x188: {  	_ =	sfence.sel $0x180000  }
0x189: {  	[bflag:$0x0] =	sbarrier.arrive $0xFFFF  }
0x18a: {  	_ =	strace $0x90000047  }
0x18b: {  	[bflag:$0x2] =	sbarrier.arrive $0xFFFF  }
0x18c: {  	s0 =	rddreg [dreg:$0x3]  }
0x18d: {  	s0 =	sadd.s32 @!p0 $0x100000, s0  }
0x18e: {  	[sflag:s0] =	ssyncadd.tile.s32 @!p0 $0x1;
	_ =	shalt  }
.Lfunc_end2:
_tile_overlayer_lowered:
.L_overlay_start_2:
0x18f: {  	(tag) =	ssettag $0x2  }
0x190: {  	s0 =	rddreg [dreg:$0x0];
	s2 =	stileid.u32  }
0x191: {  	s1 =	rddreg [dreg:$0x1];
	p0 =	sne.s32 s2, $0x0  }
0x192: {  	s3 =	rddreg [dreg:$0x2];
	[bflag:$0x3] =	sbarrier.arrive $0xFFFF;
	s2 =	simm.s32 @!p0 $0x1C04  }
0x193: {  	[timem:s3], [sflag:s2] =	dma.local @!p0 [hbm:s0], s1  }
0x194: {  	s0 =	simm.s32 @!p0 $0x4  }
0x195: {  	_ =	swait.ge @!p0 [sflag:s0], s1  }
0x196: {  	s1 =	ssub.s32 @!p0 $0x0, s1;
	[sflag:s0] =	ssyncset.done @!p0 $0x0  }
0x197: {  	[sflag:s0] =	ssyncadd.s32 @!p0 s1  }
0x198: {  	[bflag:$0x3] =	sbarrier.arrive $0xFFFF  }
0x199: {  	_ =	shalt  }

</sc_bundles>
